<compile_context>
chip_gen: v7x
topology: tpu7x:2x2x1
jax: 0.10.2.dev20260603
libtpu: 0.0.44.dev20260713+nightly
codegen_flags: <defaults>
</compile_context>

<pallas_src>
import functools

import jax
import jax.numpy as jnp
from jax import lax
from jax.experimental import pallas as pl
from jax.experimental.pallas import tpu as pltpu
from jax.experimental.pallas import tpu_sc as plsc


def _make_sc_gather(vocab, d, n, nw, chunk):
    b_per_w = n // nw
    assert chunk % 8 == 0 and chunk <= 128
    offs = list(range(0, b_per_w, chunk))
    sizes = [min(chunk, b_per_w - o) for o in offs]
    assert all(s % 8 == 0 for s in sizes)
    mesh = plsc.VectorSubcoreMesh(core_axis_name="c", subcore_axis_name="s")

    @functools.partial(
        pl.kernel,
        mesh=mesh,
        out_type=jax.ShapeDtypeStruct((n, d), jnp.float32),
        scratch_types=[
            pltpu.VMEM((b_per_w,), jnp.int32),
            pltpu.VMEM((chunk, d), jnp.float32),
            pltpu.VMEM((chunk, d), jnp.float32),
            pltpu.SemaphoreType.DMA,
            pltpu.SemaphoreType.DMA,
        ],
    )
    def gather_kernel(table_hbm, idx_hbm, out_hbm, idx_v, rows_a, rows_b, sem_a, sem_b):
        wid = lax.axis_index("s") * 2 + lax.axis_index("c")
        base = wid * b_per_w
        pltpu.sync_copy(idx_hbm.at[pl.ds(base, b_per_w)], idx_v)
        rows = (rows_a, rows_b)
        sems = (sem_a, sem_b)
        pltpu.async_copy(
            table_hbm.at[idx_v.at[pl.ds(0, sizes[0])]],
            rows_a.at[pl.ds(0, sizes[0])],
            sem_a,
        )
        for c in range(len(offs)):
            if c + 1 < len(offs):
                pltpu.async_copy(
                    table_hbm.at[idx_v.at[pl.ds(offs[c + 1], sizes[c + 1])]],
                    rows[(c + 1) % 2].at[pl.ds(0, sizes[c + 1])],
                    sems[(c + 1) % 2],
                )
            pltpu.make_async_copy(
                table_hbm.at[idx_v.at[pl.ds(offs[c], sizes[c])]],
                rows[c % 2].at[pl.ds(0, sizes[c])],
                sems[c % 2],
            ).wait()
            pltpu.sync_copy(
                rows[c % 2].at[pl.ds(0, sizes[c])],
                out_hbm.at[pl.ds(base + offs[c], sizes[c])],
            )

    return gather_kernel


def _mlp_body(rows, l, emb_ref, w1_ref, b1_ref, w2_ref, b2_ref, out_ref):
    emb = emb_ref[...]
    h = jnp.dot(emb, w1_ref[...], preferred_element_type=jnp.float32)
    h = jnp.maximum(h + b1_ref[...], 0.0)
    out = jnp.dot(h, w2_ref[...], preferred_element_type=jnp.float32)
    out = out + b2_ref[...]
    out_ref[...] = out.reshape(rows, l, out.shape[-1])


def _mlp_body_aliased(rows, l, emb_ref, w1_ref, b1_ref, w2_ref, b2_ref, prev_ref, out_ref):
    del prev_ref
    _mlp_body(rows, l, emb_ref, w1_ref, b1_ref, w2_ref, b2_ref, out_ref)


def _mlp_tc_phase(emb, W1, b1, W2, b2, b_rows, l, block_rows, row0, prev):
    n, d = emb.shape
    vocab = W2.shape[1]
    block_t = block_rows * l
    row_blk0 = row0 // block_rows
    args = [emb, W1, b1.reshape(1, d), W2, b2.reshape(1, vocab)]
    in_specs = [
        pl.BlockSpec((block_t, d), lambda i: (i, 0)),
        pl.BlockSpec((d, d), lambda i: (0, 0)),
        pl.BlockSpec((1, d), lambda i: (0, 0)),
        pl.BlockSpec((d, vocab), lambda i: (0, 0)),
        pl.BlockSpec((1, vocab), lambda i: (0, 0)),
    ]
    body = functools.partial(_mlp_body, block_rows, l)
    kwargs = {}
    if prev is not None:
        args.append(prev)
        in_specs.append(pl.BlockSpec(memory_space=pl.ANY))
        body = functools.partial(_mlp_body_aliased, block_rows, l)
        kwargs["input_output_aliases"] = {5: 0}
    return pl.pallas_call(
        body,
        grid=(n // block_t,),
        in_specs=in_specs,
        out_specs=pl.BlockSpec(
            (block_rows, l, vocab), lambda i: (i + row_blk0, 0, 0)
        ),
        out_shape=jax.ShapeDtypeStruct((b_rows, l, vocab), jnp.float32),
        **kwargs,
    )(*args)


def kernel(x, emb_table, W1, b1, W2, b2):
    b, l = x.shape
    vocab, d = emb_table.shape
    n = b * l
    nw = 32
    half = n // 2
    x_flat = x.reshape(n)
    gather = _make_sc_gather(vocab, d, half, nw, chunk=128)
    emb0 = gather(emb_table, x_flat[:half])
    emb1 = gather(emb_table, x_flat[half:])
    part = _mlp_tc_phase(emb0, W1, b1, W2, b2, b, l, 64, 0, None)
    return _mlp_tc_phase(emb1, W1, b1, W2, b2, b, l, 64, b // 2, part)

# --- scband reference (transcript-rebuilt; emitter-appended) ---
"""Pipeline reference for scband-simple-preference-model-49409303773621 (READ-ONLY COPY).

The authoritative reference and input builder live on the scoring server;
editing this copy changes nothing except your own understanding.
"""

import jax, jax.numpy as jnp
import numpy as np

VOCAB = 1000
HIDDEN = 128
B = 1024
L = 50


def setup_inputs(seed: int = 0) -> dict:
    key = jax.random.key(seed)
    k1, k2, k3, k4, k5 = jax.random.split(key, 5)
    x = jax.random.randint(k1, (B, L), 0, VOCAB, dtype=jnp.int32)
    # Parameters sized per init_kwargs (vocab_size=1000, hidden_dim=128)
    emb_table = jax.random.normal(k2, (VOCAB, HIDDEN), dtype=jnp.float32) * 0.02
    W1 = jax.random.normal(k3, (HIDDEN, HIDDEN), dtype=jnp.float32) * (1.0 / np.sqrt(HIDDEN))
    b1 = jnp.zeros((HIDDEN,), dtype=jnp.float32)
    W2 = jax.random.normal(k4, (HIDDEN, VOCAB), dtype=jnp.float32) * (1.0 / np.sqrt(HIDDEN))
    b2 = jnp.zeros((VOCAB,), dtype=jnp.float32)
    return {"x": x, "emb_table": emb_table, "W1": W1, "b1": b1, "W2": W2, "b2": b2}


def reference(x, emb_table, W1, b1, W2, b2):
    # nnx.Embed lookup -> gather rows of the table
    emb = jnp.take(emb_table, x, axis=0)            # [B, L, HIDDEN]
    # nnx.Linear + relu
    h = jax.nn.relu(jnp.dot(emb, W1) + b1)          # [B, L, HIDDEN]
    # output projection to vocab logits
    logits = jnp.dot(h, W2) + b2                    # [B, L, VOCAB]
    return logits

if __name__ == "__main__":
    import jax
    _d = setup_inputs()
    print(jax.jit(kernel)(*tuple(_d.values())))

</pallas_src>

<mosaic_0001>
#map = affine_map<(d0, d1) -> (0, 0)>
#map1 = affine_map<(d0, d1) -> (0)>
module attributes {stable_mosaic.version = 14 : i64} {
  func.func @gather_kernel(%arg0: i32, %arg1: i32, %arg2: memref<1000x128xf32, #tpu.memory_space<hbm>>, %arg3: memref<25600xi32, #tpu.memory_space<hbm>>, %arg4: memref<25600x128xf32, #tpu.memory_space<hbm>>, %arg5: memref<800xi32, #tpu.memory_space<vmem>>, %arg6: memref<128x128xf32, #tpu.memory_space<vmem>>, %arg7: memref<128x128xf32, #tpu.memory_space<vmem>>, %arg8: memref<!tpu.dma_semaphore, #tpu.memory_space<semaphore_mem>>, %arg9: memref<!tpu.dma_semaphore, #tpu.memory_space<semaphore_mem>>) attributes {dimension_semantics = [#tpu.dimension_semantics<core_parallel>, #tpu.dimension_semantics<subcore_parallel>], iteration_bounds = array<i64: 2, 16>, scalar_prefetch = 0 : i64, scratch_operands = 5 : i64, tpu.core_type = #tpu.core_type<sc_vector_subcore>, window_params = [{transform_indices = #map}, {transform_indices = #map1}, {transform_indices = #map}]} {
    %mul3A = arith.constant 2 : i32
    %mul3A_0 = arith.muli %arg1, %mul3A : i32
    %add3A = arith.addi %mul3A_0, %arg0 : i32
    %mul3A_1 = arith.constant 800 : i32
    %mul3A_2 = arith.muli %add3A, %mul3A_1 : i32
    "tpu.region"() ({
      %run_scoped3A = tpu.sem_alloc : memref<!tpu.dma_semaphore, #tpu.memory_space<semaphore_mem>>
      %dma_start3A_127 = tpu.memref_slice %arg3[%mul3A_2] : memref<25600xi32, #tpu.memory_space<hbm>> -> memref<800xi32, #tpu.memory_space<hbm>>
      %dma_start3A_128 = tpu.memref_slice %arg3[%mul3A_2] : memref<25600xi32, #tpu.memory_space<hbm>> -> memref<800xi32, #tpu.memory_space<hbm>>
      tpu.enqueue_dma source(%dma_start3A_128 : memref<800xi32, #tpu.memory_space<hbm>>) target(%arg5 : memref<800xi32, #tpu.memory_space<vmem>>) target_semaphore(%run_scoped3A : memref<!tpu.dma_semaphore, #tpu.memory_space<semaphore_mem>>)
      %dma_wait3A_129 = tpu.memref_slice %arg3[%mul3A_2] : memref<25600xi32, #tpu.memory_space<hbm>> -> memref<800xi32, #tpu.memory_space<hbm>>
      %dma_wait3A_130 = tpu.memref_slice %arg3[%mul3A_2] : memref<25600xi32, #tpu.memory_space<hbm>> -> memref<800xi32, #tpu.memory_space<hbm>>
      tpu.wait_dma2 semaphore(%run_scoped3A : memref<!tpu.dma_semaphore, #tpu.memory_space<semaphore_mem>>) src(%dma_wait3A_130 : memref<800xi32, #tpu.memory_space<hbm>>) dst(%arg5 : memref<800xi32, #tpu.memory_space<vmem>>)
      tpu.yield
    }) : () -> ()
    %dma_start3A = arith.constant 0 : i32
    %dma_start3A_3 = arith.constant 0 : i32
    %dma_start3A_4 = tpu.memref_slice %arg6[%dma_start3A, %dma_start3A_3] : memref<128x128xf32, #tpu.memory_space<vmem>> -> memref<128x128xf32, #tpu.memory_space<vmem>>
    %dma_start3A_5 = arith.constant 0 : i32
    %dma_start3A_6 = tpu.memref_slice %arg5[%dma_start3A_5] : memref<800xi32, #tpu.memory_space<vmem>> -> memref<128xi32, #tpu.memory_space<vmem>>
    %dma_start3A_7 = arith.constant 0 : i32
    %dma_start3A_8 = arith.constant 0 : i32
    %dma_start3A_9 = tpu.memref_slice %arg2[%dma_start3A_7, %dma_start3A_8] : memref<1000x128xf32, #tpu.memory_space<hbm>> -> memref<1000x128xf32, #tpu.memory_space<hbm>>
    tpu.enqueue_indirect_dma source(%dma_start3A_9 : memref<1000x128xf32, #tpu.memory_space<hbm>>) target(%dma_start3A_4 : memref<128x128xf32, #tpu.memory_space<vmem>>) offsets(%dma_start3A_6 : memref<128xi32, #tpu.memory_space<vmem>>) semaphore(%arg8 : memref<!tpu.dma_semaphore, #tpu.memory_space<semaphore_mem>>)
    %dma_start3A_10 = arith.constant 0 : i32
    %dma_start3A_11 = arith.constant 0 : i32
    %dma_start3A_12 = tpu.memref_slice %arg7[%dma_start3A_10, %dma_start3A_11] : memref<128x128xf32, #tpu.memory_space<vmem>> -> memref<128x128xf32, #tpu.memory_space<vmem>>
    %dma_start3A_13 = arith.constant 128 : i32
    %dma_start3A_14 = tpu.memref_slice %arg5[%dma_start3A_13] : memref<800xi32, #tpu.memory_space<vmem>> -> memref<128xi32, #tpu.memory_space<vmem>>
    %dma_start3A_15 = arith.constant 0 : i32
    %dma_start3A_16 = arith.constant 0 : i32
    %dma_start3A_17 = tpu.memref_slice %arg2[%dma_start3A_15, %dma_start3A_16] : memref<1000x128xf32, #tpu.memory_space<hbm>> -> memref<1000x128xf32, #tpu.memory_space<hbm>>
    tpu.enqueue_indirect_dma source(%dma_start3A_17 : memref<1000x128xf32, #tpu.memory_space<hbm>>) target(%dma_start3A_12 : memref<128x128xf32, #tpu.memory_space<vmem>>) offsets(%dma_start3A_14 : memref<128xi32, #tpu.memory_space<vmem>>) semaphore(%arg9 : memref<!tpu.dma_semaphore, #tpu.memory_space<semaphore_mem>>)
    %dma_wait3A = arith.constant 0 : i32
    %dma_wait3A_18 = arith.constant 0 : i32
    %dma_wait3A_19 = tpu.memref_slice %arg6[%dma_wait3A, %dma_wait3A_18] : memref<128x128xf32, #tpu.memory_space<vmem>> -> memref<128x128xf32, #tpu.memory_space<vmem>>
    %dma_wait3A_20 = arith.constant 0 : i32
    %dma_wait3A_21 = tpu.memref_slice %arg5[%dma_wait3A_20] : memref<800xi32, #tpu.memory_space<vmem>> -> memref<128xi32, #tpu.memory_space<vmem>>
    %dma_wait3A_22 = arith.constant 0 : i32
    %dma_wait3A_23 = arith.constant 0 : i32
    %dma_wait3A_24 = tpu.memref_slice %arg2[%dma_wait3A_22, %dma_wait3A_23] : memref<1000x128xf32, #tpu.memory_space<hbm>> -> memref<1000x128xf32, #tpu.memory_space<hbm>>
    tpu.wait_indirect_dma semaphore(%arg8 : memref<!tpu.dma_semaphore, #tpu.memory_space<semaphore_mem>>) src(%dma_wait3A_24 : memref<1000x128xf32, #tpu.memory_space<hbm>>) dst(%dma_wait3A_19 : memref<128x128xf32, #tpu.memory_space<vmem>>)
    %add3A_25 = arith.constant 0 : i32
    %add3A_26 = arith.addi %mul3A_2, %add3A_25 : i32
    "tpu.region"() ({
      %run_scoped3A = tpu.sem_alloc : memref<!tpu.dma_semaphore, #tpu.memory_space<semaphore_mem>>
      %dma_start3A_127 = arith.constant 0 : i32
      %dma_start3A_128 = arith.constant 0 : i32
      %dma_start3A_129 = tpu.memref_slice %arg6[%dma_start3A_127, %dma_start3A_128] : memref<128x128xf32, #tpu.memory_space<vmem>> -> memref<128x128xf32, #tpu.memory_space<vmem>>
      %dma_start3A_130 = arith.constant 0 : i32
      %dma_start3A_131 = tpu.memref_slice %arg4[%add3A_26, %dma_start3A_130] : memref<25600x128xf32, #tpu.memory_space<hbm>> -> memref<128x128xf32, #tpu.memory_space<hbm>>
      %dma_start3A_132 = arith.constant 0 : i32
      %dma_start3A_133 = tpu.memref_slice %arg4[%add3A_26, %dma_start3A_132] : memref<25600x128xf32, #tpu.memory_space<hbm>> -> memref<128x128xf32, #tpu.memory_space<hbm>>
      %dma_start3A_134 = arith.constant 0 : i32
      %dma_start3A_135 = arith.constant 0 : i32
      %dma_start3A_136 = tpu.memref_slice %arg6[%dma_start3A_134, %dma_start3A_135] : memref<128x128xf32, #tpu.memory_space<vmem>> -> memref<128x128xf32, #tpu.memory_space<vmem>>
      tpu.enqueue_dma source(%dma_start3A_136 : memref<128x128xf32, #tpu.memory_space<vmem>>) target(%dma_start3A_133 : memref<128x128xf32, #tpu.memory_space<hbm>>) target_semaphore(%run_scoped3A : memref<!tpu.dma_semaphore, #tpu.memory_space<semaphore_mem>>)
      %dma_wait3A_137 = arith.constant 0 : i32
      %dma_wait3A_138 = arith.constant 0 : i32
      %dma_wait3A_139 = tpu.memref_slice %arg6[%dma_wait3A_137, %dma_wait3A_138] : memref<128x128xf32, #tpu.memory_space<vmem>> -> memref<128x128xf32, #tpu.memory_space<vmem>>
      %dma_wait3A_140 = arith.constant 0 : i32
      %dma_wait3A_141 = tpu.memref_slice %arg4[%add3A_26, %dma_wait3A_140] : memref<25600x128xf32, #tpu.memory_space<hbm>> -> memref<128x128xf32, #tpu.memory_space<hbm>>
      %dma_wait3A_142 = arith.constant 0 : i32
      %dma_wait3A_143 = tpu.memref_slice %arg4[%add3A_26, %dma_wait3A_142] : memref<25600x128xf32, #tpu.memory_space<hbm>> -> memref<128x128xf32, #tpu.memory_space<hbm>>
      %dma_wait3A_144 = arith.constant 0 : i32
      %dma_wait3A_145 = arith.constant 0 : i32
      %dma_wait3A_146 = tpu.memref_slice %arg6[%dma_wait3A_144, %dma_wait3A_145] : memref<128x128xf32, #tpu.memory_space<vmem>> -> memref<128x128xf32, #tpu.memory_space<vmem>>
      tpu.wait_dma2 semaphore(%run_scoped3A : memref<!tpu.dma_semaphore, #tpu.memory_space<semaphore_mem>>) src(%dma_wait3A_146 : memref<128x128xf32, #tpu.memory_space<vmem>>) dst(%dma_wait3A_143 : memref<128x128xf32, #tpu.memory_space<hbm>>)
      tpu.yield
    }) : () -> ()
    %dma_start3A_27 = arith.constant 0 : i32
    %dma_start3A_28 = arith.constant 0 : i32
    %dma_start3A_29 = tpu.memref_slice %arg6[%dma_start3A_27, %dma_start3A_28] : memref<128x128xf32, #tpu.memory_space<vmem>> -> memref<128x128xf32, #tpu.memory_space<vmem>>
    %dma_start3A_30 = arith.constant 256 : i32
    %dma_start3A_31 = tpu.memref_slice %arg5[%dma_start3A_30] : memref<800xi32, #tpu.memory_space<vmem>> -> memref<128xi32, #tpu.memory_space<vmem>>
    %dma_start3A_32 = arith.constant 0 : i32
    %dma_start3A_33 = arith.constant 0 : i32
    %dma_start3A_34 = tpu.memref_slice %arg2[%dma_start3A_32, %dma_start3A_33] : memref<1000x128xf32, #tpu.memory_space<hbm>> -> memref<1000x128xf32, #tpu.memory_space<hbm>>
    tpu.enqueue_indirect_dma source(%dma_start3A_34 : memref<1000x128xf32, #tpu.memory_space<hbm>>) target(%dma_start3A_29 : memref<128x128xf32, #tpu.memory_space<vmem>>) offsets(%dma_start3A_31 : memref<128xi32, #tpu.memory_space<vmem>>) semaphore(%arg8 : memref<!tpu.dma_semaphore, #tpu.memory_space<semaphore_mem>>)
    %dma_wait3A_35 = arith.constant 0 : i32
    %dma_wait3A_36 = arith.constant 0 : i32
    %dma_wait3A_37 = tpu.memref_slice %arg7[%dma_wait3A_35, %dma_wait3A_36] : memref<128x128xf32, #tpu.memory_space<vmem>> -> memref<128x128xf32, #tpu.memory_space<vmem>>
    %dma_wait3A_38 = arith.constant 128 : i32
    %dma_wait3A_39 = tpu.memref_slice %arg5[%dma_wait3A_38] : memref<800xi32, #tpu.memory_space<vmem>> -> memref<128xi32, #tpu.memory_space<vmem>>
    %dma_wait3A_40 = arith.constant 0 : i32
    %dma_wait3A_41 = arith.constant 0 : i32
    %dma_wait3A_42 = tpu.memref_slice %arg2[%dma_wait3A_40, %dma_wait3A_41] : memref<1000x128xf32, #tpu.memory_space<hbm>> -> memref<1000x128xf32, #tpu.memory_space<hbm>>
    tpu.wait_indirect_dma semaphore(%arg9 : memref<!tpu.dma_semaphore, #tpu.memory_space<semaphore_mem>>) src(%dma_wait3A_42 : memref<1000x128xf32, #tpu.memory_space<hbm>>) dst(%dma_wait3A_37 : memref<128x128xf32, #tpu.memory_space<vmem>>)
    %add3A_43 = arith.constant 128 : i32
    %add3A_44 = arith.addi %mul3A_2, %add3A_43 : i32
    "tpu.region"() ({
      %run_scoped3A = tpu.sem_alloc : memref<!tpu.dma_semaphore, #tpu.memory_space<semaphore_mem>>
      %dma_start3A_127 = arith.constant 0 : i32
      %dma_start3A_128 = arith.constant 0 : i32
      %dma_start3A_129 = tpu.memref_slice %arg7[%dma_start3A_127, %dma_start3A_128] : memref<128x128xf32, #tpu.memory_space<vmem>> -> memref<128x128xf32, #tpu.memory_space<vmem>>
      %dma_start3A_130 = arith.constant 0 : i32
      %dma_start3A_131 = tpu.memref_slice %arg4[%add3A_44, %dma_start3A_130] : memref<25600x128xf32, #tpu.memory_space<hbm>> -> memref<128x128xf32, #tpu.memory_space<hbm>>
      %dma_start3A_132 = arith.constant 0 : i32
      %dma_start3A_133 = tpu.memref_slice %arg4[%add3A_44, %dma_start3A_132] : memref<25600x128xf32, #tpu.memory_space<hbm>> -> memref<128x128xf32, #tpu.memory_space<hbm>>
      %dma_start3A_134 = arith.constant 0 : i32
      %dma_start3A_135 = arith.constant 0 : i32
      %dma_start3A_136 = tpu.memref_slice %arg7[%dma_start3A_134, %dma_start3A_135] : memref<128x128xf32, #tpu.memory_space<vmem>> -> memref<128x128xf32, #tpu.memory_space<vmem>>
      tpu.enqueue_dma source(%dma_start3A_136 : memref<128x128xf32, #tpu.memory_space<vmem>>) target(%dma_start3A_133 : memref<128x128xf32, #tpu.memory_space<hbm>>) target_semaphore(%run_scoped3A : memref<!tpu.dma_semaphore, #tpu.memory_space<semaphore_mem>>)
      %dma_wait3A_137 = arith.constant 0 : i32
      %dma_wait3A_138 = arith.constant 0 : i32
      %dma_wait3A_139 = tpu.memref_slice %arg7[%dma_wait3A_137, %dma_wait3A_138] : memref<128x128xf32, #tpu.memory_space<vmem>> -> memref<128x128xf32, #tpu.memory_space<vmem>>
      %dma_wait3A_140 = arith.constant 0 : i32
      %dma_wait3A_141 = tpu.memref_slice %arg4[%add3A_44, %dma_wait3A_140] : memref<25600x128xf32, #tpu.memory_space<hbm>> -> memref<128x128xf32, #tpu.memory_space<hbm>>
      %dma_wait3A_142 = arith.constant 0 : i32
      %dma_wait3A_143 = tpu.memref_slice %arg4[%add3A_44, %dma_wait3A_142] : memref<25600x128xf32, #tpu.memory_space<hbm>> -> memref<128x128xf32, #tpu.memory_space<hbm>>
      %dma_wait3A_144 = arith.constant 0 : i32
      %dma_wait3A_145 = arith.constant 0 : i32
      %dma_wait3A_146 = tpu.memref_slice %arg7[%dma_wait3A_144, %dma_wait3A_145] : memref<128x128xf32, #tpu.memory_space<vmem>> -> memref<128x128xf32, #tpu.memory_space<vmem>>
      tpu.wait_dma2 semaphore(%run_scoped3A : memref<!tpu.dma_semaphore, #tpu.memory_space<semaphore_mem>>) src(%dma_wait3A_146 : memref<128x128xf32, #tpu.memory_space<vmem>>) dst(%dma_wait3A_143 : memref<128x128xf32, #tpu.memory_space<hbm>>)
      tpu.yield
    }) : () -> ()
    %dma_start3A_45 = arith.constant 0 : i32
    %dma_start3A_46 = arith.constant 0 : i32
    %dma_start3A_47 = tpu.memref_slice %arg7[%dma_start3A_45, %dma_start3A_46] : memref<128x128xf32, #tpu.memory_space<vmem>> -> memref<128x128xf32, #tpu.memory_space<vmem>>
    %dma_start3A_48 = arith.constant 384 : i32
    %dma_start3A_49 = tpu.memref_slice %arg5[%dma_start3A_48] : memref<800xi32, #tpu.memory_space<vmem>> -> memref<128xi32, #tpu.memory_space<vmem>>
    %dma_start3A_50 = arith.constant 0 : i32
    %dma_start3A_51 = arith.constant 0 : i32
    %dma_start3A_52 = tpu.memref_slice %arg2[%dma_start3A_50, %dma_start3A_51] : memref<1000x128xf32, #tpu.memory_space<hbm>> -> memref<1000x128xf32, #tpu.memory_space<hbm>>
    tpu.enqueue_indirect_dma source(%dma_start3A_52 : memref<1000x128xf32, #tpu.memory_space<hbm>>) target(%dma_start3A_47 : memref<128x128xf32, #tpu.memory_space<vmem>>) offsets(%dma_start3A_49 : memref<128xi32, #tpu.memory_space<vmem>>) semaphore(%arg9 : memref<!tpu.dma_semaphore, #tpu.memory_space<semaphore_mem>>)
    %dma_wait3A_53 = arith.constant 0 : i32
    %dma_wait3A_54 = arith.constant 0 : i32
    %dma_wait3A_55 = tpu.memref_slice %arg6[%dma_wait3A_53, %dma_wait3A_54] : memref<128x128xf32, #tpu.memory_space<vmem>> -> memref<128x128xf32, #tpu.memory_space<vmem>>
    %dma_wait3A_56 = arith.constant 256 : i32
    %dma_wait3A_57 = tpu.memref_slice %arg5[%dma_wait3A_56] : memref<800xi32, #tpu.memory_space<vmem>> -> memref<128xi32, #tpu.memory_space<vmem>>
    %dma_wait3A_58 = arith.constant 0 : i32
    %dma_wait3A_59 = arith.constant 0 : i32
    %dma_wait3A_60 = tpu.memref_slice %arg2[%dma_wait3A_58, %dma_wait3A_59] : memref<1000x128xf32, #tpu.memory_space<hbm>> -> memref<1000x128xf32, #tpu.memory_space<hbm>>
    tpu.wait_indirect_dma semaphore(%arg8 : memref<!tpu.dma_semaphore, #tpu.memory_space<semaphore_mem>>) src(%dma_wait3A_60 : memref<1000x128xf32, #tpu.memory_space<hbm>>) dst(%dma_wait3A_55 : memref<128x128xf32, #tpu.memory_space<vmem>>)
    %add3A_61 = arith.constant 256 : i32
    %add3A_62 = arith.addi %mul3A_2, %add3A_61 : i32
    "tpu.region"() ({
      %run_scoped3A = tpu.sem_alloc : memref<!tpu.dma_semaphore, #tpu.memory_space<semaphore_mem>>
      %dma_start3A_127 = arith.constant 0 : i32
      %dma_start3A_128 = arith.constant 0 : i32
      %dma_start3A_129 = tpu.memref_slice %arg6[%dma_start3A_127, %dma_start3A_128] : memref<128x128xf32, #tpu.memory_space<vmem>> -> memref<128x128xf32, #tpu.memory_space<vmem>>
      %dma_start3A_130 = arith.constant 0 : i32
      %dma_start3A_131 = tpu.memref_slice %arg4[%add3A_62, %dma_start3A_130] : memref<25600x128xf32, #tpu.memory_space<hbm>> -> memref<128x128xf32, #tpu.memory_space<hbm>>
      %dma_start3A_132 = arith.constant 0 : i32
      %dma_start3A_133 = tpu.memref_slice %arg4[%add3A_62, %dma_start3A_132] : memref<25600x128xf32, #tpu.memory_space<hbm>> -> memref<128x128xf32, #tpu.memory_space<hbm>>
      %dma_start3A_134 = arith.constant 0 : i32
      %dma_start3A_135 = arith.constant 0 : i32
      %dma_start3A_136 = tpu.memref_slice %arg6[%dma_start3A_134, %dma_start3A_135] : memref<128x128xf32, #tpu.memory_space<vmem>> -> memref<128x128xf32, #tpu.memory_space<vmem>>
      tpu.enqueue_dma source(%dma_start3A_136 : memref<128x128xf32, #tpu.memory_space<vmem>>) target(%dma_start3A_133 : memref<128x128xf32, #tpu.memory_space<hbm>>) target_semaphore(%run_scoped3A : memref<!tpu.dma_semaphore, #tpu.memory_space<semaphore_mem>>)
      %dma_wait3A_137 = arith.constant 0 : i32
      %dma_wait3A_138 = arith.constant 0 : i32
      %dma_wait3A_139 = tpu.memref_slice %arg6[%dma_wait3A_137, %dma_wait3A_138] : memref<128x128xf32, #tpu.memory_space<vmem>> -> memref<128x128xf32, #tpu.memory_space<vmem>>
      %dma_wait3A_140 = arith.constant 0 : i32
      %dma_wait3A_141 = tpu.memref_slice %arg4[%add3A_62, %dma_wait3A_140] : memref<25600x128xf32, #tpu.memory_space<hbm>> -> memref<128x128xf32, #tpu.memory_space<hbm>>
      %dma_wait3A_142 = arith.constant 0 : i32
      %dma_wait3A_143 = tpu.memref_slice %arg4[%add3A_62, %dma_wait3A_142] : memref<25600x128xf32, #tpu.memory_space<hbm>> -> memref<128x128xf32, #tpu.memory_space<hbm>>
      %dma_wait3A_144 = arith.constant 0 : i32
      %dma_wait3A_145 = arith.constant 0 : i32
      %dma_wait3A_146 = tpu.memref_slice %arg6[%dma_wait3A_144, %dma_wait3A_145] : memref<128x128xf32, #tpu.memory_space<vmem>> -> memref<128x128xf32, #tpu.memory_space<vmem>>
      tpu.wait_dma2 semaphore(%run_scoped3A : memref<!tpu.dma_semaphore, #tpu.memory_space<semaphore_mem>>) src(%dma_wait3A_146 : memref<128x128xf32, #tpu.memory_space<vmem>>) dst(%dma_wait3A_143 : memref<128x128xf32, #tpu.memory_space<hbm>>)
      tpu.yield
    }) : () -> ()
    %dma_start3A_63 = arith.constant 0 : i32
    %dma_start3A_64 = arith.constant 0 : i32
    %dma_start3A_65 = tpu.memref_slice %arg6[%dma_start3A_63, %dma_start3A_64] : memref<128x128xf32, #tpu.memory_space<vmem>> -> memref<128x128xf32, #tpu.memory_space<vmem>>
    %dma_start3A_66 = arith.constant 512 : i32
    %dma_start3A_67 = tpu.memref_slice %arg5[%dma_start3A_66] : memref<800xi32, #tpu.memory_space<vmem>> -> memref<128xi32, #tpu.memory_space<vmem>>
    %dma_start3A_68 = arith.constant 0 : i32
    %dma_start3A_69 = arith.constant 0 : i32
    %dma_start3A_70 = tpu.memref_slice %arg2[%dma_start3A_68, %dma_start3A_69] : memref<1000x128xf32, #tpu.memory_space<hbm>> -> memref<1000x128xf32, #tpu.memory_space<hbm>>
    tpu.enqueue_indirect_dma source(%dma_start3A_70 : memref<1000x128xf32, #tpu.memory_space<hbm>>) target(%dma_start3A_65 : memref<128x128xf32, #tpu.memory_space<vmem>>) offsets(%dma_start3A_67 : memref<128xi32, #tpu.memory_space<vmem>>) semaphore(%arg8 : memref<!tpu.dma_semaphore, #tpu.memory_space<semaphore_mem>>)
    %dma_wait3A_71 = arith.constant 0 : i32
    %dma_wait3A_72 = arith.constant 0 : i32
    %dma_wait3A_73 = tpu.memref_slice %arg7[%dma_wait3A_71, %dma_wait3A_72] : memref<128x128xf32, #tpu.memory_space<vmem>> -> memref<128x128xf32, #tpu.memory_space<vmem>>
    %dma_wait3A_74 = arith.constant 384 : i32
    %dma_wait3A_75 = tpu.memref_slice %arg5[%dma_wait3A_74] : memref<800xi32, #tpu.memory_space<vmem>> -> memref<128xi32, #tpu.memory_space<vmem>>
    %dma_wait3A_76 = arith.constant 0 : i32
    %dma_wait3A_77 = arith.constant 0 : i32
    %dma_wait3A_78 = tpu.memref_slice %arg2[%dma_wait3A_76, %dma_wait3A_77] : memref<1000x128xf32, #tpu.memory_space<hbm>> -> memref<1000x128xf32, #tpu.memory_space<hbm>>
    tpu.wait_indirect_dma semaphore(%arg9 : memref<!tpu.dma_semaphore, #tpu.memory_space<semaphore_mem>>) src(%dma_wait3A_78 : memref<1000x128xf32, #tpu.memory_space<hbm>>) dst(%dma_wait3A_73 : memref<128x128xf32, #tpu.memory_space<vmem>>)
    %add3A_79 = arith.constant 384 : i32
    %add3A_80 = arith.addi %mul3A_2, %add3A_79 : i32
    "tpu.region"() ({
      %run_scoped3A = tpu.sem_alloc : memref<!tpu.dma_semaphore, #tpu.memory_space<semaphore_mem>>
      %dma_start3A_127 = arith.constant 0 : i32
      %dma_start3A_128 = arith.constant 0 : i32
      %dma_start3A_129 = tpu.memref_slice %arg7[%dma_start3A_127, %dma_start3A_128] : memref<128x128xf32, #tpu.memory_space<vmem>> -> memref<128x128xf32, #tpu.memory_space<vmem>>
      %dma_start3A_130 = arith.constant 0 : i32
      %dma_start3A_131 = tpu.memref_slice %arg4[%add3A_80, %dma_start3A_130] : memref<25600x128xf32, #tpu.memory_space<hbm>> -> memref<128x128xf32, #tpu.memory_space<hbm>>
      %dma_start3A_132 = arith.constant 0 : i32
      %dma_start3A_133 = tpu.memref_slice %arg4[%add3A_80, %dma_start3A_132] : memref<25600x128xf32, #tpu.memory_space<hbm>> -> memref<128x128xf32, #tpu.memory_space<hbm>>
      %dma_start3A_134 = arith.constant 0 : i32
      %dma_start3A_135 = arith.constant 0 : i32
      %dma_start3A_136 = tpu.memref_slice %arg7[%dma_start3A_134, %dma_start3A_135] : memref<128x128xf32, #tpu.memory_space<vmem>> -> memref<128x128xf32, #tpu.memory_space<vmem>>
      tpu.enqueue_dma source(%dma_start3A_136 : memref<128x128xf32, #tpu.memory_space<vmem>>) target(%dma_start3A_133 : memref<128x128xf32, #tpu.memory_space<hbm>>) target_semaphore(%run_scoped3A : memref<!tpu.dma_semaphore, #tpu.memory_space<semaphore_mem>>)
      %dma_wait3A_137 = arith.constant 0 : i32
      %dma_wait3A_138 = arith.constant 0 : i32
      %dma_wait3A_139 = tpu.memref_slice %arg7[%dma_wait3A_137, %dma_wait3A_138] : memref<128x128xf32, #tpu.memory_space<vmem>> -> memref<128x128xf32, #tpu.memory_space<vmem>>
      %dma_wait3A_140 = arith.constant 0 : i32
      %dma_wait3A_141 = tpu.memref_slice %arg4[%add3A_80, %dma_wait3A_140] : memref<25600x128xf32, #tpu.memory_space<hbm>> -> memref<128x128xf32, #tpu.memory_space<hbm>>
      %dma_wait3A_142 = arith.constant 0 : i32
      %dma_wait3A_143 = tpu.memref_slice %arg4[%add3A_80, %dma_wait3A_142] : memref<25600x128xf32, #tpu.memory_space<hbm>> -> memref<128x128xf32, #tpu.memory_space<hbm>>
      %dma_wait3A_144 = arith.constant 0 : i32
      %dma_wait3A_145 = arith.constant 0 : i32
      %dma_wait3A_146 = tpu.memref_slice %arg7[%dma_wait3A_144, %dma_wait3A_145] : memref<128x128xf32, #tpu.memory_space<vmem>> -> memref<128x128xf32, #tpu.memory_space<vmem>>
      tpu.wait_dma2 semaphore(%run_scoped3A : memref<!tpu.dma_semaphore, #tpu.memory_space<semaphore_mem>>) src(%dma_wait3A_146 : memref<128x128xf32, #tpu.memory_space<vmem>>) dst(%dma_wait3A_143 : memref<128x128xf32, #tpu.memory_space<hbm>>)
      tpu.yield
    }) : () -> ()
    %dma_start3A_81 = arith.constant 0 : i32
    %dma_start3A_82 = arith.constant 0 : i32
    %dma_start3A_83 = tpu.memref_slice %arg7[%dma_start3A_81, %dma_start3A_82] : memref<128x128xf32, #tpu.memory_space<vmem>> -> memref<128x128xf32, #tpu.memory_space<vmem>>
    %dma_start3A_84 = arith.constant 640 : i32
    %dma_start3A_85 = tpu.memref_slice %arg5[%dma_start3A_84] : memref<800xi32, #tpu.memory_space<vmem>> -> memref<128xi32, #tpu.memory_space<vmem>>
    %dma_start3A_86 = arith.constant 0 : i32
    %dma_start3A_87 = arith.constant 0 : i32
    %dma_start3A_88 = tpu.memref_slice %arg2[%dma_start3A_86, %dma_start3A_87] : memref<1000x128xf32, #tpu.memory_space<hbm>> -> memref<1000x128xf32, #tpu.memory_space<hbm>>
    tpu.enqueue_indirect_dma source(%dma_start3A_88 : memref<1000x128xf32, #tpu.memory_space<hbm>>) target(%dma_start3A_83 : memref<128x128xf32, #tpu.memory_space<vmem>>) offsets(%dma_start3A_85 : memref<128xi32, #tpu.memory_space<vmem>>) semaphore(%arg9 : memref<!tpu.dma_semaphore, #tpu.memory_space<semaphore_mem>>)
    %dma_wait3A_89 = arith.constant 0 : i32
    %dma_wait3A_90 = arith.constant 0 : i32
    %dma_wait3A_91 = tpu.memref_slice %arg6[%dma_wait3A_89, %dma_wait3A_90] : memref<128x128xf32, #tpu.memory_space<vmem>> -> memref<128x128xf32, #tpu.memory_space<vmem>>
    %dma_wait3A_92 = arith.constant 512 : i32
    %dma_wait3A_93 = tpu.memref_slice %arg5[%dma_wait3A_92] : memref<800xi32, #tpu.memory_space<vmem>> -> memref<128xi32, #tpu.memory_space<vmem>>
    %dma_wait3A_94 = arith.constant 0 : i32
    %dma_wait3A_95 = arith.constant 0 : i32
    %dma_wait3A_96 = tpu.memref_slice %arg2[%dma_wait3A_94, %dma_wait3A_95] : memref<1000x128xf32, #tpu.memory_space<hbm>> -> memref<1000x128xf32, #tpu.memory_space<hbm>>
    tpu.wait_indirect_dma semaphore(%arg8 : memref<!tpu.dma_semaphore, #tpu.memory_space<semaphore_mem>>) src(%dma_wait3A_96 : memref<1000x128xf32, #tpu.memory_space<hbm>>) dst(%dma_wait3A_91 : memref<128x128xf32, #tpu.memory_space<vmem>>)
    %add3A_97 = arith.constant 512 : i32
    %add3A_98 = arith.addi %mul3A_2, %add3A_97 : i32
    "tpu.region"() ({
      %run_scoped3A = tpu.sem_alloc : memref<!tpu.dma_semaphore, #tpu.memory_space<semaphore_mem>>
      %dma_start3A_127 = arith.constant 0 : i32
      %dma_start3A_128 = arith.constant 0 : i32
      %dma_start3A_129 = tpu.memref_slice %arg6[%dma_start3A_127, %dma_start3A_128] : memref<128x128xf32, #tpu.memory_space<vmem>> -> memref<128x128xf32, #tpu.memory_space<vmem>>
      %dma_start3A_130 = arith.constant 0 : i32
      %dma_start3A_131 = tpu.memref_slice %arg4[%add3A_98, %dma_start3A_130] : memref<25600x128xf32, #tpu.memory_space<hbm>> -> memref<128x128xf32, #tpu.memory_space<hbm>>
      %dma_start3A_132 = arith.constant 0 : i32
      %dma_start3A_133 = tpu.memref_slice %arg4[%add3A_98, %dma_start3A_132] : memref<25600x128xf32, #tpu.memory_space<hbm>> -> memref<128x128xf32, #tpu.memory_space<hbm>>
      %dma_start3A_134 = arith.constant 0 : i32
      %dma_start3A_135 = arith.constant 0 : i32
      %dma_start3A_136 = tpu.memref_slice %arg6[%dma_start3A_134, %dma_start3A_135] : memref<128x128xf32, #tpu.memory_space<vmem>> -> memref<128x128xf32, #tpu.memory_space<vmem>>
      tpu.enqueue_dma source(%dma_start3A_136 : memref<128x128xf32, #tpu.memory_space<vmem>>) target(%dma_start3A_133 : memref<128x128xf32, #tpu.memory_space<hbm>>) target_semaphore(%run_scoped3A : memref<!tpu.dma_semaphore, #tpu.memory_space<semaphore_mem>>)
      %dma_wait3A_137 = arith.constant 0 : i32
      %dma_wait3A_138 = arith.constant 0 : i32
      %dma_wait3A_139 = tpu.memref_slice %arg6[%dma_wait3A_137, %dma_wait3A_138] : memref<128x128xf32, #tpu.memory_space<vmem>> -> memref<128x128xf32, #tpu.memory_space<vmem>>
      %dma_wait3A_140 = arith.constant 0 : i32
      %dma_wait3A_141 = tpu.memref_slice %arg4[%add3A_98, %dma_wait3A_140] : memref<25600x128xf32, #tpu.memory_space<hbm>> -> memref<128x128xf32, #tpu.memory_space<hbm>>
      %dma_wait3A_142 = arith.constant 0 : i32
      %dma_wait3A_143 = tpu.memref_slice %arg4[%add3A_98, %dma_wait3A_142] : memref<25600x128xf32, #tpu.memory_space<hbm>> -> memref<128x128xf32, #tpu.memory_space<hbm>>
      %dma_wait3A_144 = arith.constant 0 : i32
      %dma_wait3A_145 = arith.constant 0 : i32
      %dma_wait3A_146 = tpu.memref_slice %arg6[%dma_wait3A_144, %dma_wait3A_145] : memref<128x128xf32, #tpu.memory_space<vmem>> -> memref<128x128xf32, #tpu.memory_space<vmem>>
      tpu.wait_dma2 semaphore(%run_scoped3A : memref<!tpu.dma_semaphore, #tpu.memory_space<semaphore_mem>>) src(%dma_wait3A_146 : memref<128x128xf32, #tpu.memory_space<vmem>>) dst(%dma_wait3A_143 : memref<128x128xf32, #tpu.memory_space<hbm>>)
      tpu.yield
    }) : () -> ()
    %dma_start3A_99 = arith.constant 0 : i32
    %dma_start3A_100 = arith.constant 0 : i32
    %dma_start3A_101 = tpu.memref_slice %arg6[%dma_start3A_99, %dma_start3A_100] : memref<128x128xf32, #tpu.memory_space<vmem>> -> memref<32x128xf32, #tpu.memory_space<vmem>>
    %dma_start3A_102 = arith.constant 768 : i32
    %dma_start3A_103 = tpu.memref_slice %arg5[%dma_start3A_102] : memref<800xi32, #tpu.memory_space<vmem>> -> memref<32xi32, #tpu.memory_space<vmem>>
    %dma_start3A_104 = arith.constant 0 : i32
    %dma_start3A_105 = arith.constant 0 : i32
    %dma_start3A_106 = tpu.memref_slice %arg2[%dma_start3A_104, %dma_start3A_105] : memref<1000x128xf32, #tpu.memory_space<hbm>> -> memref<1000x128xf32, #tpu.memory_space<hbm>>
    tpu.enqueue_indirect_dma source(%dma_start3A_106 : memref<1000x128xf32, #tpu.memory_space<hbm>>) target(%dma_start3A_101 : memref<32x128xf32, #tpu.memory_space<vmem>>) offsets(%dma_start3A_103 : memref<32xi32, #tpu.memory_space<vmem>>) semaphore(%arg8 : memref<!tpu.dma_semaphore, #tpu.memory_space<semaphore_mem>>)
    %dma_wait3A_107 = arith.constant 0 : i32
    %dma_wait3A_108 = arith.constant 0 : i32
    %dma_wait3A_109 = tpu.memref_slice %arg7[%dma_wait3A_107, %dma_wait3A_108] : memref<128x128xf32, #tpu.memory_space<vmem>> -> memref<128x128xf32, #tpu.memory_space<vmem>>
    %dma_wait3A_110 = arith.constant 640 : i32
    %dma_wait3A_111 = tpu.memref_slice %arg5[%dma_wait3A_110] : memref<800xi32, #tpu.memory_space<vmem>> -> memref<128xi32, #tpu.memory_space<vmem>>
    %dma_wait3A_112 = arith.constant 0 : i32
    %dma_wait3A_113 = arith.constant 0 : i32
    %dma_wait3A_114 = tpu.memref_slice %arg2[%dma_wait3A_112, %dma_wait3A_113] : memref<1000x128xf32, #tpu.memory_space<hbm>> -> memref<1000x128xf32, #tpu.memory_space<hbm>>
    tpu.wait_indirect_dma semaphore(%arg9 : memref<!tpu.dma_semaphore, #tpu.memory_space<semaphore_mem>>) src(%dma_wait3A_114 : memref<1000x128xf32, #tpu.memory_space<hbm>>) dst(%dma_wait3A_109 : memref<128x128xf32, #tpu.memory_space<vmem>>)
    %add3A_115 = arith.constant 640 : i32
    %add3A_116 = arith.addi %mul3A_2, %add3A_115 : i32
    "tpu.region"() ({
      %run_scoped3A = tpu.sem_alloc : memref<!tpu.dma_semaphore, #tpu.memory_space<semaphore_mem>>
      %dma_start3A_127 = arith.constant 0 : i32
      %dma_start3A_128 = arith.constant 0 : i32
      %dma_start3A_129 = tpu.memref_slice %arg7[%dma_start3A_127, %dma_start3A_128] : memref<128x128xf32, #tpu.memory_space<vmem>> -> memref<128x128xf32, #tpu.memory_space<vmem>>
      %dma_start3A_130 = arith.constant 0 : i32
      %dma_start3A_131 = tpu.memref_slice %arg4[%add3A_116, %dma_start3A_130] : memref<25600x128xf32, #tpu.memory_space<hbm>> -> memref<128x128xf32, #tpu.memory_space<hbm>>
      %dma_start3A_132 = arith.constant 0 : i32
      %dma_start3A_133 = tpu.memref_slice %arg4[%add3A_116, %dma_start3A_132] : memref<25600x128xf32, #tpu.memory_space<hbm>> -> memref<128x128xf32, #tpu.memory_space<hbm>>
      %dma_start3A_134 = arith.constant 0 : i32
      %dma_start3A_135 = arith.constant 0 : i32
      %dma_start3A_136 = tpu.memref_slice %arg7[%dma_start3A_134, %dma_start3A_135] : memref<128x128xf32, #tpu.memory_space<vmem>> -> memref<128x128xf32, #tpu.memory_space<vmem>>
      tpu.enqueue_dma source(%dma_start3A_136 : memref<128x128xf32, #tpu.memory_space<vmem>>) target(%dma_start3A_133 : memref<128x128xf32, #tpu.memory_space<hbm>>) target_semaphore(%run_scoped3A : memref<!tpu.dma_semaphore, #tpu.memory_space<semaphore_mem>>)
      %dma_wait3A_137 = arith.constant 0 : i32
      %dma_wait3A_138 = arith.constant 0 : i32
      %dma_wait3A_139 = tpu.memref_slice %arg7[%dma_wait3A_137, %dma_wait3A_138] : memref<128x128xf32, #tpu.memory_space<vmem>> -> memref<128x128xf32, #tpu.memory_space<vmem>>
      %dma_wait3A_140 = arith.constant 0 : i32
      %dma_wait3A_141 = tpu.memref_slice %arg4[%add3A_116, %dma_wait3A_140] : memref<25600x128xf32, #tpu.memory_space<hbm>> -> memref<128x128xf32, #tpu.memory_space<hbm>>
      %dma_wait3A_142 = arith.constant 0 : i32
      %dma_wait3A_143 = tpu.memref_slice %arg4[%add3A_116, %dma_wait3A_142] : memref<25600x128xf32, #tpu.memory_space<hbm>> -> memref<128x128xf32, #tpu.memory_space<hbm>>
      %dma_wait3A_144 = arith.constant 0 : i32
      %dma_wait3A_145 = arith.constant 0 : i32
      %dma_wait3A_146 = tpu.memref_slice %arg7[%dma_wait3A_144, %dma_wait3A_145] : memref<128x128xf32, #tpu.memory_space<vmem>> -> memref<128x128xf32, #tpu.memory_space<vmem>>
      tpu.wait_dma2 semaphore(%run_scoped3A : memref<!tpu.dma_semaphore, #tpu.memory_space<semaphore_mem>>) src(%dma_wait3A_146 : memref<128x128xf32, #tpu.memory_space<vmem>>) dst(%dma_wait3A_143 : memref<128x128xf32, #tpu.memory_space<hbm>>)
      tpu.yield
    }) : () -> ()
    %dma_wait3A_117 = arith.constant 0 : i32
    %dma_wait3A_118 = arith.constant 0 : i32
    %dma_wait3A_119 = tpu.memref_slice %arg6[%dma_wait3A_117, %dma_wait3A_118] : memref<128x128xf32, #tpu.memory_space<vmem>> -> memref<32x128xf32, #tpu.memory_space<vmem>>
    %dma_wait3A_120 = arith.constant 768 : i32
    %dma_wait3A_121 = tpu.memref_slice %arg5[%dma_wait3A_120] : memref<800xi32, #tpu.memory_space<vmem>> -> memref<32xi32, #tpu.memory_space<vmem>>
    %dma_wait3A_122 = arith.constant 0 : i32
    %dma_wait3A_123 = arith.constant 0 : i32
    %dma_wait3A_124 = tpu.memref_slice %arg2[%dma_wait3A_122, %dma_wait3A_123] : memref<1000x128xf32, #tpu.memory_space<hbm>> -> memref<1000x128xf32, #tpu.memory_space<hbm>>
    tpu.wait_indirect_dma semaphore(%arg8 : memref<!tpu.dma_semaphore, #tpu.memory_space<semaphore_mem>>) src(%dma_wait3A_124 : memref<1000x128xf32, #tpu.memory_space<hbm>>) dst(%dma_wait3A_119 : memref<32x128xf32, #tpu.memory_space<vmem>>)
    %add3A_125 = arith.constant 768 : i32
    %add3A_126 = arith.addi %mul3A_2, %add3A_125 : i32
    "tpu.region"() ({
      %run_scoped3A = tpu.sem_alloc : memref<!tpu.dma_semaphore, #tpu.memory_space<semaphore_mem>>
      %dma_start3A_127 = arith.constant 0 : i32
      %dma_start3A_128 = arith.constant 0 : i32
      %dma_start3A_129 = tpu.memref_slice %arg6[%dma_start3A_127, %dma_start3A_128] : memref<128x128xf32, #tpu.memory_space<vmem>> -> memref<32x128xf32, #tpu.memory_space<vmem>>
      %dma_start3A_130 = arith.constant 0 : i32
      %dma_start3A_131 = tpu.memref_slice %arg4[%add3A_126, %dma_start3A_130] : memref<25600x128xf32, #tpu.memory_space<hbm>> -> memref<32x128xf32, #tpu.memory_space<hbm>>
      %dma_start3A_132 = arith.constant 0 : i32
      %dma_start3A_133 = tpu.memref_slice %arg4[%add3A_126, %dma_start3A_132] : memref<25600x128xf32, #tpu.memory_space<hbm>> -> memref<32x128xf32, #tpu.memory_space<hbm>>
      %dma_start3A_134 = arith.constant 0 : i32
      %dma_start3A_135 = arith.constant 0 : i32
      %dma_start3A_136 = tpu.memref_slice %arg6[%dma_start3A_134, %dma_start3A_135] : memref<128x128xf32, #tpu.memory_space<vmem>> -> memref<32x128xf32, #tpu.memory_space<vmem>>
      tpu.enqueue_dma source(%dma_start3A_136 : memref<32x128xf32, #tpu.memory_space<vmem>>) target(%dma_start3A_133 : memref<32x128xf32, #tpu.memory_space<hbm>>) target_semaphore(%run_scoped3A : memref<!tpu.dma_semaphore, #tpu.memory_space<semaphore_mem>>)
      %dma_wait3A_137 = arith.constant 0 : i32
      %dma_wait3A_138 = arith.constant 0 : i32
      %dma_wait3A_139 = tpu.memref_slice %arg6[%dma_wait3A_137, %dma_wait3A_138] : memref<128x128xf32, #tpu.memory_space<vmem>> -> memref<32x128xf32, #tpu.memory_space<vmem>>
      %dma_wait3A_140 = arith.constant 0 : i32
      %dma_wait3A_141 = tpu.memref_slice %arg4[%add3A_126, %dma_wait3A_140] : memref<25600x128xf32, #tpu.memory_space<hbm>> -> memref<32x128xf32, #tpu.memory_space<hbm>>
      %dma_wait3A_142 = arith.constant 0 : i32
      %dma_wait3A_143 = tpu.memref_slice %arg4[%add3A_126, %dma_wait3A_142] : memref<25600x128xf32, #tpu.memory_space<hbm>> -> memref<32x128xf32, #tpu.memory_space<hbm>>
      %dma_wait3A_144 = arith.constant 0 : i32
      %dma_wait3A_145 = arith.constant 0 : i32
      %dma_wait3A_146 = tpu.memref_slice %arg6[%dma_wait3A_144, %dma_wait3A_145] : memref<128x128xf32, #tpu.memory_space<vmem>> -> memref<32x128xf32, #tpu.memory_space<vmem>>
      tpu.wait_dma2 semaphore(%run_scoped3A : memref<!tpu.dma_semaphore, #tpu.memory_space<semaphore_mem>>) src(%dma_wait3A_146 : memref<32x128xf32, #tpu.memory_space<vmem>>) dst(%dma_wait3A_143 : memref<32x128xf32, #tpu.memory_space<hbm>>)
      tpu.yield
    }) : () -> ()
    return
  }
}

#map = affine_map<(d0, d1) -> (0, 0)>
#map1 = affine_map<(d0, d1) -> (0)>
module attributes {stable_mosaic.version = 14 : i64} {
  func.func @gather_kernel(%arg0: i32, %arg1: i32, %arg2: memref<1000x128xf32, #tpu.memory_space<hbm>>, %arg3: memref<25600xi32, #tpu.memory_space<hbm>>, %arg4: memref<25600x128xf32, #tpu.memory_space<hbm>>, %arg5: memref<800xi32, #tpu.memory_space<vmem>>, %arg6: memref<128x128xf32, #tpu.memory_space<vmem>>, %arg7: memref<128x128xf32, #tpu.memory_space<vmem>>, %arg8: memref<!tpu.dma_semaphore, #tpu.memory_space<semaphore_mem>>, %arg9: memref<!tpu.dma_semaphore, #tpu.memory_space<semaphore_mem>>) attributes {dimension_semantics = [#tpu.dimension_semantics<core_parallel>, #tpu.dimension_semantics<subcore_parallel>], iteration_bounds = array<i64: 2, 16>, scalar_prefetch = 0 : i64, scratch_operands = 5 : i64, tpu.core_type = #tpu.core_type<sc_vector_subcore>, window_params = [{transform_indices = #map}, {transform_indices = #map1}, {transform_indices = #map}]} {
    %mul3A = arith.constant 2 : i32
    %mul3A_0 = arith.muli %arg1, %mul3A : i32
    %add3A = arith.addi %mul3A_0, %arg0 : i32
    %mul3A_1 = arith.constant 800 : i32
    %mul3A_2 = arith.muli %add3A, %mul3A_1 : i32
    "tpu.region"() ({
      %run_scoped3A = tpu.sem_alloc : memref<!tpu.dma_semaphore, #tpu.memory_space<semaphore_mem>>
      %dma_start3A_127 = tpu.memref_slice %arg3[%mul3A_2] : memref<25600xi32, #tpu.memory_space<hbm>> -> memref<800xi32, #tpu.memory_space<hbm>>
      %dma_start3A_128 = tpu.memref_slice %arg3[%mul3A_2] : memref<25600xi32, #tpu.memory_space<hbm>> -> memref<800xi32, #tpu.memory_space<hbm>>
      tpu.enqueue_dma source(%dma_start3A_128 : memref<800xi32, #tpu.memory_space<hbm>>) target(%arg5 : memref<800xi32, #tpu.memory_space<vmem>>) target_semaphore(%run_scoped3A : memref<!tpu.dma_semaphore, #tpu.memory_space<semaphore_mem>>)
      %dma_wait3A_129 = tpu.memref_slice %arg3[%mul3A_2] : memref<25600xi32, #tpu.memory_space<hbm>> -> memref<800xi32, #tpu.memory_space<hbm>>
      %dma_wait3A_130 = tpu.memref_slice %arg3[%mul3A_2] : memref<25600xi32, #tpu.memory_space<hbm>> -> memref<800xi32, #tpu.memory_space<hbm>>
      tpu.wait_dma2 semaphore(%run_scoped3A : memref<!tpu.dma_semaphore, #tpu.memory_space<semaphore_mem>>) src(%dma_wait3A_130 : memref<800xi32, #tpu.memory_space<hbm>>) dst(%arg5 : memref<800xi32, #tpu.memory_space<vmem>>)
      tpu.yield
    }) : () -> ()
    %dma_start3A = arith.constant 0 : i32
    %dma_start3A_3 = arith.constant 0 : i32
    %dma_start3A_4 = tpu.memref_slice %arg6[%dma_start3A, %dma_start3A_3] : memref<128x128xf32, #tpu.memory_space<vmem>> -> memref<128x128xf32, #tpu.memory_space<vmem>>
    %dma_start3A_5 = arith.constant 0 : i32
    %dma_start3A_6 = tpu.memref_slice %arg5[%dma_start3A_5] : memref<800xi32, #tpu.memory_space<vmem>> -> memref<128xi32, #tpu.memory_space<vmem>>
    %dma_start3A_7 = arith.constant 0 : i32
    %dma_start3A_8 = arith.constant 0 : i32
    %dma_start3A_9 = tpu.memref_slice %arg2[%dma_start3A_7, %dma_start3A_8] : memref<1000x128xf32, #tpu.memory_space<hbm>> -> memref<1000x128xf32, #tpu.memory_space<hbm>>
    tpu.enqueue_indirect_dma source(%dma_start3A_9 : memref<1000x128xf32, #tpu.memory_space<hbm>>) target(%dma_start3A_4 : memref<128x128xf32, #tpu.memory_space<vmem>>) offsets(%dma_start3A_6 : memref<128xi32, #tpu.memory_space<vmem>>) semaphore(%arg8 : memref<!tpu.dma_semaphore, #tpu.memory_space<semaphore_mem>>)
    %dma_start3A_10 = arith.constant 0 : i32
    %dma_start3A_11 = arith.constant 0 : i32
    %dma_start3A_12 = tpu.memref_slice %arg7[%dma_start3A_10, %dma_start3A_11] : memref<128x128xf32, #tpu.memory_space<vmem>> -> memref<128x128xf32, #tpu.memory_space<vmem>>
    %dma_start3A_13 = arith.constant 128 : i32
    %dma_start3A_14 = tpu.memref_slice %arg5[%dma_start3A_13] : memref<800xi32, #tpu.memory_space<vmem>> -> memref<128xi32, #tpu.memory_space<vmem>>
    %dma_start3A_15 = arith.constant 0 : i32
    %dma_start3A_16 = arith.constant 0 : i32
    %dma_start3A_17 = tpu.memref_slice %arg2[%dma_start3A_15, %dma_start3A_16] : memref<1000x128xf32, #tpu.memory_space<hbm>> -> memref<1000x128xf32, #tpu.memory_space<hbm>>
    tpu.enqueue_indirect_dma source(%dma_start3A_17 : memref<1000x128xf32, #tpu.memory_space<hbm>>) target(%dma_start3A_12 : memref<128x128xf32, #tpu.memory_space<vmem>>) offsets(%dma_start3A_14 : memref<128xi32, #tpu.memory_space<vmem>>) semaphore(%arg9 : memref<!tpu.dma_semaphore, #tpu.memory_space<semaphore_mem>>)
    %dma_wait3A = arith.constant 0 : i32
    %dma_wait3A_18 = arith.constant 0 : i32
    %dma_wait3A_19 = tpu.memref_slice %arg6[%dma_wait3A, %dma_wait3A_18] : memref<128x128xf32, #tpu.memory_space<vmem>> -> memref<128x128xf32, #tpu.memory_space<vmem>>
    %dma_wait3A_20 = arith.constant 0 : i32
    %dma_wait3A_21 = tpu.memref_slice %arg5[%dma_wait3A_20] : memref<800xi32, #tpu.memory_space<vmem>> -> memref<128xi32, #tpu.memory_space<vmem>>
    %dma_wait3A_22 = arith.constant 0 : i32
    %dma_wait3A_23 = arith.constant 0 : i32
    %dma_wait3A_24 = tpu.memref_slice %arg2[%dma_wait3A_22, %dma_wait3A_23] : memref<1000x128xf32, #tpu.memory_space<hbm>> -> memref<1000x128xf32, #tpu.memory_space<hbm>>
    tpu.wait_indirect_dma semaphore(%arg8 : memref<!tpu.dma_semaphore, #tpu.memory_space<semaphore_mem>>) src(%dma_wait3A_24 : memref<1000x128xf32, #tpu.memory_space<hbm>>) dst(%dma_wait3A_19 : memref<128x128xf32, #tpu.memory_space<vmem>>)
    %add3A_25 = arith.constant 0 : i32
    %add3A_26 = arith.addi %mul3A_2, %add3A_25 : i32
    "tpu.region"() ({
      %run_scoped3A = tpu.sem_alloc : memref<!tpu.dma_semaphore, #tpu.memory_space<semaphore_mem>>
      %dma_start3A_127 = arith.constant 0 : i32
      %dma_start3A_128 = arith.constant 0 : i32
      %dma_start3A_129 = tpu.memref_slice %arg6[%dma_start3A_127, %dma_start3A_128] : memref<128x128xf32, #tpu.memory_space<vmem>> -> memref<128x128xf32, #tpu.memory_space<vmem>>
      %dma_start3A_130 = arith.constant 0 : i32
      %dma_start3A_131 = tpu.memref_slice %arg4[%add3A_26, %dma_start3A_130] : memref<25600x128xf32, #tpu.memory_space<hbm>> -> memref<128x128xf32, #tpu.memory_space<hbm>>
      %dma_start3A_132 = arith.constant 0 : i32
      %dma_start3A_133 = tpu.memref_slice %arg4[%add3A_26, %dma_start3A_132] : memref<25600x128xf32, #tpu.memory_space<hbm>> -> memref<128x128xf32, #tpu.memory_space<hbm>>
      %dma_start3A_134 = arith.constant 0 : i32
      %dma_start3A_135 = arith.constant 0 : i32
      %dma_start3A_136 = tpu.memref_slice %arg6[%dma_start3A_134, %dma_start3A_135] : memref<128x128xf32, #tpu.memory_space<vmem>> -> memref<128x128xf32, #tpu.memory_space<vmem>>
      tpu.enqueue_dma source(%dma_start3A_136 : memref<128x128xf32, #tpu.memory_space<vmem>>) target(%dma_start3A_133 : memref<128x128xf32, #tpu.memory_space<hbm>>) target_semaphore(%run_scoped3A : memref<!tpu.dma_semaphore, #tpu.memory_space<semaphore_mem>>)
      %dma_wait3A_137 = arith.constant 0 : i32
      %dma_wait3A_138 = arith.constant 0 : i32
      %dma_wait3A_139 = tpu.memref_slice %arg6[%dma_wait3A_137, %dma_wait3A_138] : memref<128x128xf32, #tpu.memory_space<vmem>> -> memref<128x128xf32, #tpu.memory_space<vmem>>
      %dma_wait3A_140 = arith.constant 0 : i32
      %dma_wait3A_141 = tpu.memref_slice %arg4[%add3A_26, %dma_wait3A_140] : memref<25600x128xf32, #tpu.memory_space<hbm>> -> memref<128x128xf32, #tpu.memory_space<hbm>>
      %dma_wait3A_142 = arith.constant 0 : i32
      %dma_wait3A_143 = tpu.memref_slice %arg4[%add3A_26, %dma_wait3A_142] : memref<25600x128xf32, #tpu.memory_space<hbm>> -> memref<128x128xf32, #tpu.memory_space<hbm>>
      %dma_wait3A_144 = arith.constant 0 : i32
      %dma_wait3A_145 = arith.constant 0 : i32
      %dma_wait3A_146 = tpu.memref_slice %arg6[%dma_wait3A_144, %dma_wait3A_145] : memref<128x128xf32, #tpu.memory_space<vmem>> -> memref<128x128xf32, #tpu.memory_space<vmem>>
      tpu.wait_dma2 semaphore(%run_scoped3A : memref<!tpu.dma_semaphore, #tpu.memory_space<semaphore_mem>>) src(%dma_wait3A_146 : memref<128x128xf32, #tpu.memory_space<vmem>>) dst(%dma_wait3A_143 : memref<128x128xf32, #tpu.memory_space<hbm>>)
      tpu.yield
    }) : () -> ()
    %dma_start3A_27 = arith.constant 0 : i32
    %dma_start3A_28 = arith.constant 0 : i32
    %dma_start3A_29 = tpu.memref_slice %arg6[%dma_start3A_27, %dma_start3A_28] : memref<128x128xf32, #tpu.memory_space<vmem>> -> memref<128x128xf32, #tpu.memory_space<vmem>>
    %dma_start3A_30 = arith.constant 256 : i32
    %dma_start3A_31 = tpu.memref_slice %arg5[%dma_start3A_30] : memref<800xi32, #tpu.memory_space<vmem>> -> memref<128xi32, #tpu.memory_space<vmem>>
    %dma_start3A_32 = arith.constant 0 : i32
    %dma_start3A_33 = arith.constant 0 : i32
    %dma_start3A_34 = tpu.memref_slice %arg2[%dma_start3A_32, %dma_start3A_33] : memref<1000x128xf32, #tpu.memory_space<hbm>> -> memref<1000x128xf32, #tpu.memory_space<hbm>>
    tpu.enqueue_indirect_dma source(%dma_start3A_34 : memref<1000x128xf32, #tpu.memory_space<hbm>>) target(%dma_start3A_29 : memref<128x128xf32, #tpu.memory_space<vmem>>) offsets(%dma_start3A_31 : memref<128xi32, #tpu.memory_space<vmem>>) semaphore(%arg8 : memref<!tpu.dma_semaphore, #tpu.memory_space<semaphore_mem>>)
    %dma_wait3A_35 = arith.constant 0 : i32
    %dma_wait3A_36 = arith.constant 0 : i32
    %dma_wait3A_37 = tpu.memref_slice %arg7[%dma_wait3A_35, %dma_wait3A_36] : memref<128x128xf32, #tpu.memory_space<vmem>> -> memref<128x128xf32, #tpu.memory_space<vmem>>
    %dma_wait3A_38 = arith.constant 128 : i32
    %dma_wait3A_39 = tpu.memref_slice %arg5[%dma_wait3A_38] : memref<800xi32, #tpu.memory_space<vmem>> -> memref<128xi32, #tpu.memory_space<vmem>>
    %dma_wait3A_40 = arith.constant 0 : i32
    %dma_wait3A_41 = arith.constant 0 : i32
    %dma_wait3A_42 = tpu.memref_slice %arg2[%dma_wait3A_40, %dma_wait3A_41] : memref<1000x128xf32, #tpu.memory_space<hbm>> -> memref<1000x128xf32, #tpu.memory_space<hbm>>
    tpu.wait_indirect_dma semaphore(%arg9 : memref<!tpu.dma_semaphore, #tpu.memory_space<semaphore_mem>>) src(%dma_wait3A_42 : memref<1000x128xf32, #tpu.memory_space<hbm>>) dst(%dma_wait3A_37 : memref<128x128xf32, #tpu.memory_space<vmem>>)
    %add3A_43 = arith.constant 128 : i32
    %add3A_44 = arith.addi %mul3A_2, %add3A_43 : i32
    "tpu.region"() ({
      %run_scoped3A = tpu.sem_alloc : memref<!tpu.dma_semaphore, #tpu.memory_space<semaphore_mem>>
      %dma_start3A_127 = arith.constant 0 : i32
      %dma_start3A_128 = arith.constant 0 : i32
      %dma_start3A_129 = tpu.memref_slice %arg7[%dma_start3A_127, %dma_start3A_128] : memref<128x128xf32, #tpu.memory_space<vmem>> -> memref<128x128xf32, #tpu.memory_space<vmem>>
      %dma_start3A_130 = arith.constant 0 : i32
      %dma_start3A_131 = tpu.memref_slice %arg4[%add3A_44, %dma_start3A_130] : memref<25600x128xf32, #tpu.memory_space<hbm>> -> memref<128x128xf32, #tpu.memory_space<hbm>>
      %dma_start3A_132 = arith.constant 0 : i32
      %dma_start3A_133 = tpu.memref_slice %arg4[%add3A_44, %dma_start3A_132] : memref<25600x128xf32, #tpu.memory_space<hbm>> -> memref<128x128xf32, #tpu.memory_space<hbm>>
      %dma_start3A_134 = arith.constant 0 : i32
      %dma_start3A_135 = arith.constant 0 : i32
      %dma_start3A_136 = tpu.memref_slice %arg7[%dma_start3A_134, %dma_start3A_135] : memref<128x128xf32, #tpu.memory_space<vmem>> -> memref<128x128xf32, #tpu.memory_space<vmem>>
      tpu.enqueue_dma source(%dma_start3A_136 : memref<128x128xf32, #tpu.memory_space<vmem>>) target(%dma_start3A_133 : memref<128x128xf32, #tpu.memory_space<hbm>>) target_semaphore(%run_scoped3A : memref<!tpu.dma_semaphore, #tpu.memory_space<semaphore_mem>>)
      %dma_wait3A_137 = arith.constant 0 : i32
      %dma_wait3A_138 = arith.constant 0 : i32
      %dma_wait3A_139 = tpu.memref_slice %arg7[%dma_wait3A_137, %dma_wait3A_138] : memref<128x128xf32, #tpu.memory_space<vmem>> -> memref<128x128xf32, #tpu.memory_space<vmem>>
      %dma_wait3A_140 = arith.constant 0 : i32
      %dma_wait3A_141 = tpu.memref_slice %arg4[%add3A_44, %dma_wait3A_140] : memref<25600x128xf32, #tpu.memory_space<hbm>> -> memref<128x128xf32, #tpu.memory_space<hbm>>
      %dma_wait3A_142 = arith.constant 0 : i32
      %dma_wait3A_143 = tpu.memref_slice %arg4[%add3A_44, %dma_wait3A_142] : memref<25600x128xf32, #tpu.memory_space<hbm>> -> memref<128x128xf32, #tpu.memory_space<hbm>>
      %dma_wait3A_144 = arith.constant 0 : i32
      %dma_wait3A_145 = arith.constant 0 : i32
      %dma_wait3A_146 = tpu.memref_slice %arg7[%dma_wait3A_144, %dma_wait3A_145] : memref<128x128xf32, #tpu.memory_space<vmem>> -> memref<128x128xf32, #tpu.memory_space<vmem>>
      tpu.wait_dma2 semaphore(%run_scoped3A : memref<!tpu.dma_semaphore, #tpu.memory_space<semaphore_mem>>) src(%dma_wait3A_146 : memref<128x128xf32, #tpu.memory_space<vmem>>) dst(%dma_wait3A_143 : memref<128x128xf32, #tpu.memory_space<hbm>>)
      tpu.yield
    }) : () -> ()
    %dma_start3A_45 = arith.constant 0 : i32
    %dma_start3A_46 = arith.constant 0 : i32
    %dma_start3A_47 = tpu.memref_slice %arg7[%dma_start3A_45, %dma_start3A_46] : memref<128x128xf32, #tpu.memory_space<vmem>> -> memref<128x128xf32, #tpu.memory_space<vmem>>
    %dma_start3A_48 = arith.constant 384 : i32
    %dma_start3A_49 = tpu.memref_slice %arg5[%dma_start3A_48] : memref<800xi32, #tpu.memory_space<vmem>> -> memref<128xi32, #tpu.memory_space<vmem>>
    %dma_start3A_50 = arith.constant 0 : i32
    %dma_start3A_51 = arith.constant 0 : i32
    %dma_start3A_52 = tpu.memref_slice %arg2[%dma_start3A_50, %dma_start3A_51] : memref<1000x128xf32, #tpu.memory_space<hbm>> -> memref<1000x128xf32, #tpu.memory_space<hbm>>
    tpu.enqueue_indirect_dma source(%dma_start3A_52 : memref<1000x128xf32, #tpu.memory_space<hbm>>) target(%dma_start3A_47 : memref<128x128xf32, #tpu.memory_space<vmem>>) offsets(%dma_start3A_49 : memref<128xi32, #tpu.memory_space<vmem>>) semaphore(%arg9 : memref<!tpu.dma_semaphore, #tpu.memory_space<semaphore_mem>>)
    %dma_wait3A_53 = arith.constant 0 : i32
    %dma_wait3A_54 = arith.constant 0 : i32
    %dma_wait3A_55 = tpu.memref_slice %arg6[%dma_wait3A_53, %dma_wait3A_54] : memref<128x128xf32, #tpu.memory_space<vmem>> -> memref<128x128xf32, #tpu.memory_space<vmem>>
    %dma_wait3A_56 = arith.constant 256 : i32
    %dma_wait3A_57 = tpu.memref_slice %arg5[%dma_wait3A_56] : memref<800xi32, #tpu.memory_space<vmem>> -> memref<128xi32, #tpu.memory_space<vmem>>
    %dma_wait3A_58 = arith.constant 0 : i32
    %dma_wait3A_59 = arith.constant 0 : i32
    %dma_wait3A_60 = tpu.memref_slice %arg2[%dma_wait3A_58, %dma_wait3A_59] : memref<1000x128xf32, #tpu.memory_space<hbm>> -> memref<1000x128xf32, #tpu.memory_space<hbm>>
    tpu.wait_indirect_dma semaphore(%arg8 : memref<!tpu.dma_semaphore, #tpu.memory_space<semaphore_mem>>) src(%dma_wait3A_60 : memref<1000x128xf32, #tpu.memory_space<hbm>>) dst(%dma_wait3A_55 : memref<128x128xf32, #tpu.memory_space<vmem>>)
    %add3A_61 = arith.constant 256 : i32
    %add3A_62 = arith.addi %mul3A_2, %add3A_61 : i32
    "tpu.region"() ({
      %run_scoped3A = tpu.sem_alloc : memref<!tpu.dma_semaphore, #tpu.memory_space<semaphore_mem>>
      %dma_start3A_127 = arith.constant 0 : i32
      %dma_start3A_128 = arith.constant 0 : i32
      %dma_start3A_129 = tpu.memref_slice %arg6[%dma_start3A_127, %dma_start3A_128] : memref<128x128xf32, #tpu.memory_space<vmem>> -> memref<128x128xf32, #tpu.memory_space<vmem>>
      %dma_start3A_130 = arith.constant 0 : i32
      %dma_start3A_131 = tpu.memref_slice %arg4[%add3A_62, %dma_start3A_130] : memref<25600x128xf32, #tpu.memory_space<hbm>> -> memref<128x128xf32, #tpu.memory_space<hbm>>
      %dma_start3A_132 = arith.constant 0 : i32
      %dma_start3A_133 = tpu.memref_slice %arg4[%add3A_62, %dma_start3A_132] : memref<25600x128xf32, #tpu.memory_space<hbm>> -> memref<128x128xf32, #tpu.memory_space<hbm>>
      %dma_start3A_134 = arith.constant 0 : i32
      %dma_start3A_135 = arith.constant 0 : i32
      %dma_start3A_136 = tpu.memref_slice %arg6[%dma_start3A_134, %dma_start3A_135] : memref<128x128xf32, #tpu.memory_space<vmem>> -> memref<128x128xf32, #tpu.memory_space<vmem>>
      tpu.enqueue_dma source(%dma_start3A_136 : memref<128x128xf32, #tpu.memory_space<vmem>>) target(%dma_start3A_133 : memref<128x128xf32, #tpu.memory_space<hbm>>) target_semaphore(%run_scoped3A : memref<!tpu.dma_semaphore, #tpu.memory_space<semaphore_mem>>)
      %dma_wait3A_137 = arith.constant 0 : i32
      %dma_wait3A_138 = arith.constant 0 : i32
      %dma_wait3A_139 = tpu.memref_slice %arg6[%dma_wait3A_137, %dma_wait3A_138] : memref<128x128xf32, #tpu.memory_space<vmem>> -> memref<128x128xf32, #tpu.memory_space<vmem>>
      %dma_wait3A_140 = arith.constant 0 : i32
      %dma_wait3A_141 = tpu.memref_slice %arg4[%add3A_62, %dma_wait3A_140] : memref<25600x128xf32, #tpu.memory_space<hbm>> -> memref<128x128xf32, #tpu.memory_space<hbm>>
      %dma_wait3A_142 = arith.constant 0 : i32
      %dma_wait3A_143 = tpu.memref_slice %arg4[%add3A_62, %dma_wait3A_142] : memref<25600x128xf32, #tpu.memory_space<hbm>> -> memref<128x128xf32, #tpu.memory_space<hbm>>
      %dma_wait3A_144 = arith.constant 0 : i32
      %dma_wait3A_145 = arith.constant 0 : i32
      %dma_wait3A_146 = tpu.memref_slice %arg6[%dma_wait3A_144, %dma_wait3A_145] : memref<128x128xf32, #tpu.memory_space<vmem>> -> memref<128x128xf32, #tpu.memory_space<vmem>>
      tpu.wait_dma2 semaphore(%run_scoped3A : memref<!tpu.dma_semaphore, #tpu.memory_space<semaphore_mem>>) src(%dma_wait3A_146 : memref<128x128xf32, #tpu.memory_space<vmem>>) dst(%dma_wait3A_143 : memref<128x128xf32, #tpu.memory_space<hbm>>)
      tpu.yield
    }) : () -> ()
    %dma_start3A_63 = arith.constant 0 : i32
    %dma_start3A_64 = arith.constant 0 : i32
    %dma_start3A_65 = tpu.memref_slice %arg6[%dma_start3A_63, %dma_start3A_64] : memref<128x128xf32, #tpu.memory_space<vmem>> -> memref<128x128xf32, #tpu.memory_space<vmem>>
    %dma_start3A_66 = arith.constant 512 : i32
    %dma_start3A_67 = tpu.memref_slice %arg5[%dma_start3A_66] : memref<800xi32, #tpu.memory_space<vmem>> -> memref<128xi32, #tpu.memory_space<vmem>>
    %dma_start3A_68 = arith.constant 0 : i32
    %dma_start3A_69 = arith.constant 0 : i32
    %dma_start3A_70 = tpu.memref_slice %arg2[%dma_start3A_68, %dma_start3A_69] : memref<1000x128xf32, #tpu.memory_space<hbm>> -> memref<1000x128xf32, #tpu.memory_space<hbm>>
    tpu.enqueue_indirect_dma source(%dma_start3A_70 : memref<1000x128xf32, #tpu.memory_space<hbm>>) target(%dma_start3A_65 : memref<128x128xf32, #tpu.memory_space<vmem>>) offsets(%dma_start3A_67 : memref<128xi32, #tpu.memory_space<vmem>>) semaphore(%arg8 : memref<!tpu.dma_semaphore, #tpu.memory_space<semaphore_mem>>)
    %dma_wait3A_71 = arith.constant 0 : i32
    %dma_wait3A_72 = arith.constant 0 : i32
    %dma_wait3A_73 = tpu.memref_slice %arg7[%dma_wait3A_71, %dma_wait3A_72] : memref<128x128xf32, #tpu.memory_space<vmem>> -> memref<128x128xf32, #tpu.memory_space<vmem>>
    %dma_wait3A_74 = arith.constant 384 : i32
    %dma_wait3A_75 = tpu.memref_slice %arg5[%dma_wait3A_74] : memref<800xi32, #tpu.memory_space<vmem>> -> memref<128xi32, #tpu.memory_space<vmem>>
    %dma_wait3A_76 = arith.constant 0 : i32
    %dma_wait3A_77 = arith.constant 0 : i32
    %dma_wait3A_78 = tpu.memref_slice %arg2[%dma_wait3A_76, %dma_wait3A_77] : memref<1000x128xf32, #tpu.memory_space<hbm>> -> memref<1000x128xf32, #tpu.memory_space<hbm>>
    tpu.wait_indirect_dma semaphore(%arg9 : memref<!tpu.dma_semaphore, #tpu.memory_space<semaphore_mem>>) src(%dma_wait3A_78 : memref<1000x128xf32, #tpu.memory_space<hbm>>) dst(%dma_wait3A_73 : memref<128x128xf32, #tpu.memory_space<vmem>>)
    %add3A_79 = arith.constant 384 : i32
    %add3A_80 = arith.addi %mul3A_2, %add3A_79 : i32
    "tpu.region"() ({
      %run_scoped3A = tpu.sem_alloc : memref<!tpu.dma_semaphore, #tpu.memory_space<semaphore_mem>>
      %dma_start3A_127 = arith.constant 0 : i32
      %dma_start3A_128 = arith.constant 0 : i32
      %dma_start3A_129 = tpu.memref_slice %arg7[%dma_start3A_127, %dma_start3A_128] : memref<128x128xf32, #tpu.memory_space<vmem>> -> memref<128x128xf32, #tpu.memory_space<vmem>>
      %dma_start3A_130 = arith.constant 0 : i32
      %dma_start3A_131 = tpu.memref_slice %arg4[%add3A_80, %dma_start3A_130] : memref<25600x128xf32, #tpu.memory_space<hbm>> -> memref<128x128xf32, #tpu.memory_space<hbm>>
      %dma_start3A_132 = arith.constant 0 : i32
      %dma_start3A_133 = tpu.memref_slice %arg4[%add3A_80, %dma_start3A_132] : memref<25600x128xf32, #tpu.memory_space<hbm>> -> memref<128x128xf32, #tpu.memory_space<hbm>>
      %dma_start3A_134 = arith.constant 0 : i32
      %dma_start3A_135 = arith.constant 0 : i32
      %dma_start3A_136 = tpu.memref_slice %arg7[%dma_start3A_134, %dma_start3A_135] : memref<128x128xf32, #tpu.memory_space<vmem>> -> memref<128x128xf32, #tpu.memory_space<vmem>>
      tpu.enqueue_dma source(%dma_start3A_136 : memref<128x128xf32, #tpu.memory_space<vmem>>) target(%dma_start3A_133 : memref<128x128xf32, #tpu.memory_space<hbm>>) target_semaphore(%run_scoped3A : memref<!tpu.dma_semaphore, #tpu.memory_space<semaphore_mem>>)
      %dma_wait3A_137 = arith.constant 0 : i32
      %dma_wait3A_138 = arith.constant 0 : i32
      %dma_wait3A_139 = tpu.memref_slice %arg7[%dma_wait3A_137, %dma_wait3A_138] : memref<128x128xf32, #tpu.memory_space<vmem>> -> memref<128x128xf32, #tpu.memory_space<vmem>>
      %dma_wait3A_140 = arith.constant 0 : i32
      %dma_wait3A_141 = tpu.memref_slice %arg4[%add3A_80, %dma_wait3A_140] : memref<25600x128xf32, #tpu.memory_space<hbm>> -> memref<128x128xf32, #tpu.memory_space<hbm>>
      %dma_wait3A_142 = arith.constant 0 : i32
      %dma_wait3A_143 = tpu.memref_slice %arg4[%add3A_80, %dma_wait3A_142] : memref<25600x128xf32, #tpu.memory_space<hbm>> -> memref<128x128xf32, #tpu.memory_space<hbm>>
      %dma_wait3A_144 = arith.constant 0 : i32
      %dma_wait3A_145 = arith.constant 0 : i32
      %dma_wait3A_146 = tpu.memref_slice %arg7[%dma_wait3A_144, %dma_wait3A_145] : memref<128x128xf32, #tpu.memory_space<vmem>> -> memref<128x128xf32, #tpu.memory_space<vmem>>
      tpu.wait_dma2 semaphore(%run_scoped3A : memref<!tpu.dma_semaphore, #tpu.memory_space<semaphore_mem>>) src(%dma_wait3A_146 : memref<128x128xf32, #tpu.memory_space<vmem>>) dst(%dma_wait3A_143 : memref<128x128xf32, #tpu.memory_space<hbm>>)
      tpu.yield
    }) : () -> ()
    %dma_start3A_81 = arith.constant 0 : i32
    %dma_start3A_82 = arith.constant 0 : i32
    %dma_start3A_83 = tpu.memref_slice %arg7[%dma_start3A_81, %dma_start3A_82] : memref<128x128xf32, #tpu.memory_space<vmem>> -> memref<128x128xf32, #tpu.memory_space<vmem>>
    %dma_start3A_84 = arith.constant 640 : i32
    %dma_start3A_85 = tpu.memref_slice %arg5[%dma_start3A_84] : memref<800xi32, #tpu.memory_space<vmem>> -> memref<128xi32, #tpu.memory_space<vmem>>
    %dma_start3A_86 = arith.constant 0 : i32
    %dma_start3A_87 = arith.constant 0 : i32
    %dma_start3A_88 = tpu.memref_slice %arg2[%dma_start3A_86, %dma_start3A_87] : memref<1000x128xf32, #tpu.memory_space<hbm>> -> memref<1000x128xf32, #tpu.memory_space<hbm>>
    tpu.enqueue_indirect_dma source(%dma_start3A_88 : memref<1000x128xf32, #tpu.memory_space<hbm>>) target(%dma_start3A_83 : memref<128x128xf32, #tpu.memory_space<vmem>>) offsets(%dma_start3A_85 : memref<128xi32, #tpu.memory_space<vmem>>) semaphore(%arg9 : memref<!tpu.dma_semaphore, #tpu.memory_space<semaphore_mem>>)
    %dma_wait3A_89 = arith.constant 0 : i32
    %dma_wait3A_90 = arith.constant 0 : i32
    %dma_wait3A_91 = tpu.memref_slice %arg6[%dma_wait3A_89, %dma_wait3A_90] : memref<128x128xf32, #tpu.memory_space<vmem>> -> memref<128x128xf32, #tpu.memory_space<vmem>>
    %dma_wait3A_92 = arith.constant 512 : i32
    %dma_wait3A_93 = tpu.memref_slice %arg5[%dma_wait3A_92] : memref<800xi32, #tpu.memory_space<vmem>> -> memref<128xi32, #tpu.memory_space<vmem>>
    %dma_wait3A_94 = arith.constant 0 : i32
    %dma_wait3A_95 = arith.constant 0 : i32
    %dma_wait3A_96 = tpu.memref_slice %arg2[%dma_wait3A_94, %dma_wait3A_95] : memref<1000x128xf32, #tpu.memory_space<hbm>> -> memref<1000x128xf32, #tpu.memory_space<hbm>>
    tpu.wait_indirect_dma semaphore(%arg8 : memref<!tpu.dma_semaphore, #tpu.memory_space<semaphore_mem>>) src(%dma_wait3A_96 : memref<1000x128xf32, #tpu.memory_space<hbm>>) dst(%dma_wait3A_91 : memref<128x128xf32, #tpu.memory_space<vmem>>)
    %add3A_97 = arith.constant 512 : i32
    %add3A_98 = arith.addi %mul3A_2, %add3A_97 : i32
    "tpu.region"() ({
      %run_scoped3A = tpu.sem_alloc : memref<!tpu.dma_semaphore, #tpu.memory_space<semaphore_mem>>
      %dma_start3A_127 = arith.constant 0 : i32
      %dma_start3A_128 = arith.constant 0 : i32
      %dma_start3A_129 = tpu.memref_slice %arg6[%dma_start3A_127, %dma_start3A_128] : memref<128x128xf32, #tpu.memory_space<vmem>> -> memref<128x128xf32, #tpu.memory_space<vmem>>
      %dma_start3A_130 = arith.constant 0 : i32
      %dma_start3A_131 = tpu.memref_slice %arg4[%add3A_98, %dma_start3A_130] : memref<25600x128xf32, #tpu.memory_space<hbm>> -> memref<128x128xf32, #tpu.memory_space<hbm>>
      %dma_start3A_132 = arith.constant 0 : i32
      %dma_start3A_133 = tpu.memref_slice %arg4[%add3A_98, %dma_start3A_132] : memref<25600x128xf32, #tpu.memory_space<hbm>> -> memref<128x128xf32, #tpu.memory_space<hbm>>
      %dma_start3A_134 = arith.constant 0 : i32
      %dma_start3A_135 = arith.constant 0 : i32
      %dma_start3A_136 = tpu.memref_slice %arg6[%dma_start3A_134, %dma_start3A_135] : memref<128x128xf32, #tpu.memory_space<vmem>> -> memref<128x128xf32, #tpu.memory_space<vmem>>
      tpu.enqueue_dma source(%dma_start3A_136 : memref<128x128xf32, #tpu.memory_space<vmem>>) target(%dma_start3A_133 : memref<128x128xf32, #tpu.memory_space<hbm>>) target_semaphore(%run_scoped3A : memref<!tpu.dma_semaphore, #tpu.memory_space<semaphore_mem>>)
      %dma_wait3A_137 = arith.constant 0 : i32
      %dma_wait3A_138 = arith.constant 0 : i32
      %dma_wait3A_139 = tpu.memref_slice %arg6[%dma_wait3A_137, %dma_wait3A_138] : memref<128x128xf32, #tpu.memory_space<vmem>> -> memref<128x128xf32, #tpu.memory_space<vmem>>
      %dma_wait3A_140 = arith.constant 0 : i32
      %dma_wait3A_141 = tpu.memref_slice %arg4[%add3A_98, %dma_wait3A_140] : memref<25600x128xf32, #tpu.memory_space<hbm>> -> memref<128x128xf32, #tpu.memory_space<hbm>>
      %dma_wait3A_142 = arith.constant 0 : i32
      %dma_wait3A_143 = tpu.memref_slice %arg4[%add3A_98, %dma_wait3A_142] : memref<25600x128xf32, #tpu.memory_space<hbm>> -> memref<128x128xf32, #tpu.memory_space<hbm>>
      %dma_wait3A_144 = arith.constant 0 : i32
      %dma_wait3A_145 = arith.constant 0 : i32
      %dma_wait3A_146 = tpu.memref_slice %arg6[%dma_wait3A_144, %dma_wait3A_145] : memref<128x128xf32, #tpu.memory_space<vmem>> -> memref<128x128xf32, #tpu.memory_space<vmem>>
      tpu.wait_dma2 semaphore(%run_scoped3A : memref<!tpu.dma_semaphore, #tpu.memory_space<semaphore_mem>>) src(%dma_wait3A_146 : memref<128x128xf32, #tpu.memory_space<vmem>>) dst(%dma_wait3A_143 : memref<128x128xf32, #tpu.memory_space<hbm>>)
      tpu.yield
    }) : () -> ()
    %dma_start3A_99 = arith.constant 0 : i32
    %dma_start3A_100 = arith.constant 0 : i32
    %dma_start3A_101 = tpu.memref_slice %arg6[%dma_start3A_99, %dma_start3A_100] : memref<128x128xf32, #tpu.memory_space<vmem>> -> memref<32x128xf32, #tpu.memory_space<vmem>>
    %dma_start3A_102 = arith.constant 768 : i32
    %dma_start3A_103 = tpu.memref_slice %arg5[%dma_start3A_102] : memref<800xi32, #tpu.memory_space<vmem>> -> memref<32xi32, #tpu.memory_space<vmem>>
    %dma_start3A_104 = arith.constant 0 : i32
    %dma_start3A_105 = arith.constant 0 : i32
    %dma_start3A_106 = tpu.memref_slice %arg2[%dma_start3A_104, %dma_start3A_105] : memref<1000x128xf32, #tpu.memory_space<hbm>> -> memref<1000x128xf32, #tpu.memory_space<hbm>>
    tpu.enqueue_indirect_dma source(%dma_start3A_106 : memref<1000x128xf32, #tpu.memory_space<hbm>>) target(%dma_start3A_101 : memref<32x128xf32, #tpu.memory_space<vmem>>) offsets(%dma_start3A_103 : memref<32xi32, #tpu.memory_space<vmem>>) semaphore(%arg8 : memref<!tpu.dma_semaphore, #tpu.memory_space<semaphore_mem>>)
    %dma_wait3A_107 = arith.constant 0 : i32
    %dma_wait3A_108 = arith.constant 0 : i32
    %dma_wait3A_109 = tpu.memref_slice %arg7[%dma_wait3A_107, %dma_wait3A_108] : memref<128x128xf32, #tpu.memory_space<vmem>> -> memref<128x128xf32, #tpu.memory_space<vmem>>
    %dma_wait3A_110 = arith.constant 640 : i32
    %dma_wait3A_111 = tpu.memref_slice %arg5[%dma_wait3A_110] : memref<800xi32, #tpu.memory_space<vmem>> -> memref<128xi32, #tpu.memory_space<vmem>>
    %dma_wait3A_112 = arith.constant 0 : i32
    %dma_wait3A_113 = arith.constant 0 : i32
    %dma_wait3A_114 = tpu.memref_slice %arg2[%dma_wait3A_112, %dma_wait3A_113] : memref<1000x128xf32, #tpu.memory_space<hbm>> -> memref<1000x128xf32, #tpu.memory_space<hbm>>
    tpu.wait_indirect_dma semaphore(%arg9 : memref<!tpu.dma_semaphore, #tpu.memory_space<semaphore_mem>>) src(%dma_wait3A_114 : memref<1000x128xf32, #tpu.memory_space<hbm>>) dst(%dma_wait3A_109 : memref<128x128xf32, #tpu.memory_space<vmem>>)
    %add3A_115 = arith.constant 640 : i32
    %add3A_116 = arith.addi %mul3A_2, %add3A_115 : i32
    "tpu.region"() ({
      %run_scoped3A = tpu.sem_alloc : memref<!tpu.dma_semaphore, #tpu.memory_space<semaphore_mem>>
      %dma_start3A_127 = arith.constant 0 : i32
      %dma_start3A_128 = arith.constant 0 : i32
      %dma_start3A_129 = tpu.memref_slice %arg7[%dma_start3A_127, %dma_start3A_128] : memref<128x128xf32, #tpu.memory_space<vmem>> -> memref<128x128xf32, #tpu.memory_space<vmem>>
      %dma_start3A_130 = arith.constant 0 : i32
      %dma_start3A_131 = tpu.memref_slice %arg4[%add3A_116, %dma_start3A_130] : memref<25600x128xf32, #tpu.memory_space<hbm>> -> memref<128x128xf32, #tpu.memory_space<hbm>>
      %dma_start3A_132 = arith.constant 0 : i32
      %dma_start3A_133 = tpu.memref_slice %arg4[%add3A_116, %dma_start3A_132] : memref<25600x128xf32, #tpu.memory_space<hbm>> -> memref<128x128xf32, #tpu.memory_space<hbm>>
      %dma_start3A_134 = arith.constant 0 : i32
      %dma_start3A_135 = arith.constant 0 : i32
      %dma_start3A_136 = tpu.memref_slice %arg7[%dma_start3A_134, %dma_start3A_135] : memref<128x128xf32, #tpu.memory_space<vmem>> -> memref<128x128xf32, #tpu.memory_space<vmem>>
      tpu.enqueue_dma source(%dma_start3A_136 : memref<128x128xf32, #tpu.memory_space<vmem>>) target(%dma_start3A_133 : memref<128x128xf32, #tpu.memory_space<hbm>>) target_semaphore(%run_scoped3A : memref<!tpu.dma_semaphore, #tpu.memory_space<semaphore_mem>>)
      %dma_wait3A_137 = arith.constant 0 : i32
      %dma_wait3A_138 = arith.constant 0 : i32
      %dma_wait3A_139 = tpu.memref_slice %arg7[%dma_wait3A_137, %dma_wait3A_138] : memref<128x128xf32, #tpu.memory_space<vmem>> -> memref<128x128xf32, #tpu.memory_space<vmem>>
      %dma_wait3A_140 = arith.constant 0 : i32
      %dma_wait3A_141 = tpu.memref_slice %arg4[%add3A_116, %dma_wait3A_140] : memref<25600x128xf32, #tpu.memory_space<hbm>> -> memref<128x128xf32, #tpu.memory_space<hbm>>
      %dma_wait3A_142 = arith.constant 0 : i32
      %dma_wait3A_143 = tpu.memref_slice %arg4[%add3A_116, %dma_wait3A_142] : memref<25600x128xf32, #tpu.memory_space<hbm>> -> memref<128x128xf32, #tpu.memory_space<hbm>>
      %dma_wait3A_144 = arith.constant 0 : i32
      %dma_wait3A_145 = arith.constant 0 : i32
      %dma_wait3A_146 = tpu.memref_slice %arg7[%dma_wait3A_144, %dma_wait3A_145] : memref<128x128xf32, #tpu.memory_space<vmem>> -> memref<128x128xf32, #tpu.memory_space<vmem>>
      tpu.wait_dma2 semaphore(%run_scoped3A : memref<!tpu.dma_semaphore, #tpu.memory_space<semaphore_mem>>) src(%dma_wait3A_146 : memref<128x128xf32, #tpu.memory_space<vmem>>) dst(%dma_wait3A_143 : memref<128x128xf32, #tpu.memory_space<hbm>>)
      tpu.yield
    }) : () -> ()
    %dma_wait3A_117 = arith.constant 0 : i32
    %dma_wait3A_118 = arith.constant 0 : i32
    %dma_wait3A_119 = tpu.memref_slice %arg6[%dma_wait3A_117, %dma_wait3A_118] : memref<128x128xf32, #tpu.memory_space<vmem>> -> memref<32x128xf32, #tpu.memory_space<vmem>>
    %dma_wait3A_120 = arith.constant 768 : i32
    %dma_wait3A_121 = tpu.memref_slice %arg5[%dma_wait3A_120] : memref<800xi32, #tpu.memory_space<vmem>> -> memref<32xi32, #tpu.memory_space<vmem>>
    %dma_wait3A_122 = arith.constant 0 : i32
    %dma_wait3A_123 = arith.constant 0 : i32
    %dma_wait3A_124 = tpu.memref_slice %arg2[%dma_wait3A_122, %dma_wait3A_123] : memref<1000x128xf32, #tpu.memory_space<hbm>> -> memref<1000x128xf32, #tpu.memory_space<hbm>>
    tpu.wait_indirect_dma semaphore(%arg8 : memref<!tpu.dma_semaphore, #tpu.memory_space<semaphore_mem>>) src(%dma_wait3A_124 : memref<1000x128xf32, #tpu.memory_space<hbm>>) dst(%dma_wait3A_119 : memref<32x128xf32, #tpu.memory_space<vmem>>)
    %add3A_125 = arith.constant 768 : i32
    %add3A_126 = arith.addi %mul3A_2, %add3A_125 : i32
    "tpu.region"() ({
      %run_scoped3A = tpu.sem_alloc : memref<!tpu.dma_semaphore, #tpu.memory_space<semaphore_mem>>
      %dma_start3A_127 = arith.constant 0 : i32
      %dma_start3A_128 = arith.constant 0 : i32
      %dma_start3A_129 = tpu.memref_slice %arg6[%dma_start3A_127, %dma_start3A_128] : memref<128x128xf32, #tpu.memory_space<vmem>> -> memref<32x128xf32, #tpu.memory_space<vmem>>
      %dma_start3A_130 = arith.constant 0 : i32
      %dma_start3A_131 = tpu.memref_slice %arg4[%add3A_126, %dma_start3A_130] : memref<25600x128xf32, #tpu.memory_space<hbm>> -> memref<32x128xf32, #tpu.memory_space<hbm>>
      %dma_start3A_132 = arith.constant 0 : i32
      %dma_start3A_133 = tpu.memref_slice %arg4[%add3A_126, %dma_start3A_132] : memref<25600x128xf32, #tpu.memory_space<hbm>> -> memref<32x128xf32, #tpu.memory_space<hbm>>
      %dma_start3A_134 = arith.constant 0 : i32
      %dma_start3A_135 = arith.constant 0 : i32
      %dma_start3A_136 = tpu.memref_slice %arg6[%dma_start3A_134, %dma_start3A_135] : memref<128x128xf32, #tpu.memory_space<vmem>> -> memref<32x128xf32, #tpu.memory_space<vmem>>
      tpu.enqueue_dma source(%dma_start3A_136 : memref<32x128xf32, #tpu.memory_space<vmem>>) target(%dma_start3A_133 : memref<32x128xf32, #tpu.memory_space<hbm>>) target_semaphore(%run_scoped3A : memref<!tpu.dma_semaphore, #tpu.memory_space<semaphore_mem>>)
      %dma_wait3A_137 = arith.constant 0 : i32
      %dma_wait3A_138 = arith.constant 0 : i32
      %dma_wait3A_139 = tpu.memref_slice %arg6[%dma_wait3A_137, %dma_wait3A_138] : memref<128x128xf32, #tpu.memory_space<vmem>> -> memref<32x128xf32, #tpu.memory_space<vmem>>
      %dma_wait3A_140 = arith.constant 0 : i32
      %dma_wait3A_141 = tpu.memref_slice %arg4[%add3A_126, %dma_wait3A_140] : memref<25600x128xf32, #tpu.memory_space<hbm>> -> memref<32x128xf32, #tpu.memory_space<hbm>>
      %dma_wait3A_142 = arith.constant 0 : i32
      %dma_wait3A_143 = tpu.memref_slice %arg4[%add3A_126, %dma_wait3A_142] : memref<25600x128xf32, #tpu.memory_space<hbm>> -> memref<32x128xf32, #tpu.memory_space<hbm>>
      %dma_wait3A_144 = arith.constant 0 : i32
      %dma_wait3A_145 = arith.constant 0 : i32
      %dma_wait3A_146 = tpu.memref_slice %arg6[%dma_wait3A_144, %dma_wait3A_145] : memref<128x128xf32, #tpu.memory_space<vmem>> -> memref<32x128xf32, #tpu.memory_space<vmem>>
      tpu.wait_dma2 semaphore(%run_scoped3A : memref<!tpu.dma_semaphore, #tpu.memory_space<semaphore_mem>>) src(%dma_wait3A_146 : memref<32x128xf32, #tpu.memory_space<vmem>>) dst(%dma_wait3A_143 : memref<32x128xf32, #tpu.memory_space<hbm>>)
      tpu.yield
    }) : () -> ()
    return
  }
}

module attributes {stable_mosaic.version = 14 : i64} {
  func.func @_mlp_body(%arg0: i32, %arg1: memref<3200x128xf32, #tpu.memory_space<vmem>>, %arg2: memref<128x128xf32, #tpu.memory_space<vmem>>, %arg3: memref<1x128xf32, #tpu.memory_space<vmem>>, %arg4: memref<128x1000xf32, #tpu.memory_space<vmem>>, %arg5: memref<1x1000xf32, #tpu.memory_space<vmem>>, %arg6: memref<64x50x1000xf32, #tpu.memory_space<vmem>>) attributes {dimension_semantics = [#tpu.dimension_semantics<arbitrary>], iteration_bounds = array<i64: 8>, scalar_prefetch = 0 : i64, scratch_operands = 0 : i64, tpu.core_type = #tpu.core_type<tc>, window_params = [{transform_indices = @transform_0, window_bounds = array<i64: 3200, 128>}, {pipeline_mode = #tpu.pipeline_mode<synchronous>, transform_indices = @transform_1, window_bounds = array<i64: 128, 128>}, {pipeline_mode = #tpu.pipeline_mode<synchronous>, transform_indices = @transform_2, window_bounds = array<i64: 1, 128>}, {pipeline_mode = #tpu.pipeline_mode<synchronous>, transform_indices = @transform_3, window_bounds = array<i64: 128, 1000>}, {pipeline_mode = #tpu.pipeline_mode<synchronous>, transform_indices = @transform_4, window_bounds = array<i64: 1, 1000>}, {transform_indices = @transform_5, window_bounds = array<i64: 64, 50, 1000>}]} {
    %get3A = arith.constant 0 : index
    %get3A_0 = arith.constant 0 : index
    %get3A_1 = vector.load %arg1[%get3A, %get3A_0] : memref<3200x128xf32, #tpu.memory_space<vmem>>, vector<3200x128xf32>
    %get3A_2 = arith.constant 0 : index
    %get3A_3 = arith.constant 0 : index
    %get3A_4 = vector.load %arg2[%get3A_2, %get3A_3] : memref<128x128xf32, #tpu.memory_space<vmem>>, vector<128x128xf32>
    %dot_general3A = arith.constant dense<0.000000e+00> : vector<3200x128xf32>
    %dot_general3A_5 = tpu.matmul %get3A_1, %get3A_4, %dot_general3A {dimension_numbers = #tpu.dot_dimension_numbers<[1], [0], [0], [1], [0, 0, 1, 1], [], []>, transpose_lhs_hint = false} : vector<3200x128xf32>, vector<128x128xf32>, vector<3200x128xf32> -> vector<3200x128xf32>
    %get3A_6 = arith.constant 0 : index
    %get3A_7 = arith.constant 0 : index
    %get3A_8 = vector.load %arg3[%get3A_6, %get3A_7] : memref<1x128xf32, #tpu.memory_space<vmem>>, vector<1x128xf32>
    %add3A = vector.broadcast %get3A_8 : vector<1x128xf32> to vector<3200x128xf32>
    %add3A_9 = arith.addf %dot_general3A_5, %add3A : vector<3200x128xf32>
    %max3A = arith.constant 0.000000e+00 : f32
    %max3A_10 = vector.broadcast %max3A : f32 to vector<3200x128xf32>
    %max3A_11 = arith.maximumf %add3A_9, %max3A_10 : vector<3200x128xf32>
    %get3A_12 = arith.constant 0 : index
    %get3A_13 = arith.constant 0 : index
    %get3A_14 = vector.load %arg4[%get3A_12, %get3A_13] : memref<128x1000xf32, #tpu.memory_space<vmem>>, vector<128x1000xf32>
    %dot_general3A_15 = arith.constant dense<0.000000e+00> : vector<3200x1000xf32>
    %dot_general3A_16 = tpu.matmul %max3A_11, %get3A_14, %dot_general3A_15 {dimension_numbers = #tpu.dot_dimension_numbers<[1], [0], [0], [1], [0, 0, 1, 1], [], []>, transpose_lhs_hint = false} : vector<3200x128xf32>, vector<128x1000xf32>, vector<3200x1000xf32> -> vector<3200x1000xf32>
    %get3A_17 = arith.constant 0 : index
    %get3A_18 = arith.constant 0 : index
    %get3A_19 = vector.load %arg5[%get3A_17, %get3A_18] : memref<1x1000xf32, #tpu.memory_space<vmem>>, vector<1x1000xf32>
    %add3A_20 = vector.broadcast %get3A_19 : vector<1x1000xf32> to vector<3200x1000xf32>
    %add3A_21 = arith.addf %dot_general3A_16, %add3A_20 : vector<3200x1000xf32>
    %reshape3A = vector.shape_cast %add3A_21 : vector<3200x1000xf32> to vector<64x50x1000xf32>
    %swap3A = arith.constant 0 : index
    %swap3A_22 = arith.constant 0 : index
    %swap3A_23 = arith.constant 0 : index
    %swap3A_24 = vector.load %arg6[%swap3A, %swap3A_22, %swap3A_23] : memref<64x50x1000xf32, #tpu.memory_space<vmem>>, vector<64x50x1000xf32>
    tpu.vector_store %arg6[%swap3A, %swap3A_22, %swap3A_23], %reshape3A {strides = array<i32>} : memref<64x50x1000xf32, #tpu.memory_space<vmem>>, vector<64x50x1000xf32>,
    return
  }
  func.func @transform_0(%arg0: i32) -> (i32, i32) {
    %c0_i32 = arith.constant 0 : i32
    %c0_i32_0 = arith.constant 0 : i32
    return %arg0, %c0_i32 : i32, i32
  }
  func.func @transform_1(%arg0: i32) -> (i32, i32) {
    %c0_i32 = arith.constant 0 : i32
    %c0_i32_0 = arith.constant 0 : i32
    %c0_i32_1 = arith.constant 0 : i32
    return %c0_i32, %c0_i32_0 : i32, i32
  }
  func.func @transform_2(%arg0: i32) -> (i32, i32) {
    %c0_i32 = arith.constant 0 : i32
    %c0_i32_0 = arith.constant 0 : i32
    %c0_i32_1 = arith.constant 0 : i32
    return %c0_i32, %c0_i32_0 : i32, i32
  }
  func.func @transform_3(%arg0: i32) -> (i32, i32) {
    %c0_i32 = arith.constant 0 : i32
    %c0_i32_0 = arith.constant 0 : i32
    %c0_i32_1 = arith.constant 0 : i32
    return %c0_i32, %c0_i32_0 : i32, i32
  }
  func.func @transform_4(%arg0: i32) -> (i32, i32) {
    %c0_i32 = arith.constant 0 : i32
    %c0_i32_0 = arith.constant 0 : i32
    %c0_i32_1 = arith.constant 0 : i32
    return %c0_i32, %c0_i32_0 : i32, i32
  }
  func.func @transform_5(%arg0: i32) -> (i32, i32, i32) {
    %add3A = arith.constant 0 : i32
    %add3A_0 = arith.addi %arg0, %add3A : i32
    %c0_i32 = arith.constant 0 : i32
    %c0_i32_1 = arith.constant 0 : i32
    %c0_i32_2 = arith.constant 0 : i32
    return %add3A_0, %c0_i32, %c0_i32_1 : i32, i32, i32
  }
}

module attributes {stable_mosaic.version = 14 : i64} {
  func.func @_mlp_body_aliased(%arg0: i32, %arg1: memref<3200x128xf32, #tpu.memory_space<vmem>>, %arg2: memref<128x128xf32, #tpu.memory_space<vmem>>, %arg3: memref<1x128xf32, #tpu.memory_space<vmem>>, %arg4: memref<128x1000xf32, #tpu.memory_space<vmem>>, %arg5: memref<1x1000xf32, #tpu.memory_space<vmem>>, %arg6: memref<1024x50x1000xf32, #tpu.memory_space<any>>, %arg7: memref<64x50x1000xf32, #tpu.memory_space<vmem>>) attributes {dimension_semantics = [#tpu.dimension_semantics<arbitrary>], iteration_bounds = array<i64: 8>, scalar_prefetch = 0 : i64, scratch_operands = 0 : i64, tpu.core_type = #tpu.core_type<tc>, window_params = [{transform_indices = @transform_0, window_bounds = array<i64: 3200, 128>}, {pipeline_mode = #tpu.pipeline_mode<synchronous>, transform_indices = @transform_1, window_bounds = array<i64: 128, 128>}, {pipeline_mode = #tpu.pipeline_mode<synchronous>, transform_indices = @transform_2, window_bounds = array<i64: 1, 128>}, {pipeline_mode = #tpu.pipeline_mode<synchronous>, transform_indices = @transform_3, window_bounds = array<i64: 128, 1000>}, {pipeline_mode = #tpu.pipeline_mode<synchronous>, transform_indices = @transform_4, window_bounds = array<i64: 1, 1000>}, {}, {transform_indices = @transform_6, window_bounds = array<i64: 64, 50, 1000>}]} {
    %get3A = arith.constant 0 : index
    %get3A_0 = arith.constant 0 : index
    %get3A_1 = vector.load %arg1[%get3A, %get3A_0] : memref<3200x128xf32, #tpu.memory_space<vmem>>, vector<3200x128xf32>
    %get3A_2 = arith.constant 0 : index
    %get3A_3 = arith.constant 0 : index
    %get3A_4 = vector.load %arg2[%get3A_2, %get3A_3] : memref<128x128xf32, #tpu.memory_space<vmem>>, vector<128x128xf32>
    %dot_general3A = arith.constant dense<0.000000e+00> : vector<3200x128xf32>
    %dot_general3A_5 = tpu.matmul %get3A_1, %get3A_4, %dot_general3A {dimension_numbers = #tpu.dot_dimension_numbers<[1], [0], [0], [1], [0, 0, 1, 1], [], []>, transpose_lhs_hint = false} : vector<3200x128xf32>, vector<128x128xf32>, vector<3200x128xf32> -> vector<3200x128xf32>
    %get3A_6 = arith.constant 0 : index
    %get3A_7 = arith.constant 0 : index
    %get3A_8 = vector.load %arg3[%get3A_6, %get3A_7] : memref<1x128xf32, #tpu.memory_space<vmem>>, vector<1x128xf32>
    %add3A = vector.broadcast %get3A_8 : vector<1x128xf32> to vector<3200x128xf32>
    %add3A_9 = arith.addf %dot_general3A_5, %add3A : vector<3200x128xf32>
    %max3A = arith.constant 0.000000e+00 : f32
    %max3A_10 = vector.broadcast %max3A : f32 to vector<3200x128xf32>
    %max3A_11 = arith.maximumf %add3A_9, %max3A_10 : vector<3200x128xf32>
    %get3A_12 = arith.constant 0 : index
    %get3A_13 = arith.constant 0 : index
    %get3A_14 = vector.load %arg4[%get3A_12, %get3A_13] : memref<128x1000xf32, #tpu.memory_space<vmem>>, vector<128x1000xf32>
    %dot_general3A_15 = arith.constant dense<0.000000e+00> : vector<3200x1000xf32>
    %dot_general3A_16 = tpu.matmul %max3A_11, %get3A_14, %dot_general3A_15 {dimension_numbers = #tpu.dot_dimension_numbers<[1], [0], [0], [1], [0, 0, 1, 1], [], []>, transpose_lhs_hint = false} : vector<3200x128xf32>, vector<128x1000xf32>, vector<3200x1000xf32> -> vector<3200x1000xf32>
    %get3A_17 = arith.constant 0 : index
    %get3A_18 = arith.constant 0 : index
    %get3A_19 = vector.load %arg5[%get3A_17, %get3A_18] : memref<1x1000xf32, #tpu.memory_space<vmem>>, vector<1x1000xf32>
    %add3A_20 = vector.broadcast %get3A_19 : vector<1x1000xf32> to vector<3200x1000xf32>
    %add3A_21 = arith.addf %dot_general3A_16, %add3A_20 : vector<3200x1000xf32>
    %reshape3A = vector.shape_cast %add3A_21 : vector<3200x1000xf32> to vector<64x50x1000xf32>
    %swap3A = arith.constant 0 : index
    %swap3A_22 = arith.constant 0 : index
    %swap3A_23 = arith.constant 0 : index
    %swap3A_24 = vector.load %arg7[%swap3A, %swap3A_22, %swap3A_23] : memref<64x50x1000xf32, #tpu.memory_space<vmem>>, vector<64x50x1000xf32>
    tpu.vector_store %arg7[%swap3A, %swap3A_22, %swap3A_23], %reshape3A {strides = array<i32>} : memref<64x50x1000xf32, #tpu.memory_space<vmem>>, vector<64x50x1000xf32>,
    return
  }
  func.func @transform_0(%arg0: i32) -> (i32, i32) {
    %c0_i32 = arith.constant 0 : i32
    %c0_i32_0 = arith.constant 0 : i32
    return %arg0, %c0_i32 : i32, i32
  }
  func.func @transform_1(%arg0: i32) -> (i32, i32) {
    %c0_i32 = arith.constant 0 : i32
    %c0_i32_0 = arith.constant 0 : i32
    %c0_i32_1 = arith.constant 0 : i32
    return %c0_i32, %c0_i32_0 : i32, i32
  }
  func.func @transform_2(%arg0: i32) -> (i32, i32) {
    %c0_i32 = arith.constant 0 : i32
    %c0_i32_0 = arith.constant 0 : i32
    %c0_i32_1 = arith.constant 0 : i32
    return %c0_i32, %c0_i32_0 : i32, i32
  }
  func.func @transform_3(%arg0: i32) -> (i32, i32) {
    %c0_i32 = arith.constant 0 : i32
    %c0_i32_0 = arith.constant 0 : i32
    %c0_i32_1 = arith.constant 0 : i32
    return %c0_i32, %c0_i32_0 : i32, i32
  }
  func.func @transform_4(%arg0: i32) -> (i32, i32) {
    %c0_i32 = arith.constant 0 : i32
    %c0_i32_0 = arith.constant 0 : i32
    %c0_i32_1 = arith.constant 0 : i32
    return %c0_i32, %c0_i32_0 : i32, i32
  }
  func.func @transform_6(%arg0: i32) -> (i32, i32, i32) {
    %add3A = arith.constant 8 : i32
    %add3A_0 = arith.addi %arg0, %add3A : i32
    %c0_i32 = arith.constant 0 : i32
    %c0_i32_1 = arith.constant 0 : i32
    %c0_i32_2 = arith.constant 0 : i32
    return %add3A_0, %c0_i32, %c0_i32_1 : i32, i32, i32
  }
}

</mosaic_0001>

<sc_bundles>
// kernel: kernel.6.cloned.1.call-start
scs
__scs_entry_jumppad:
0x0: {  	(pc) =	sbr.rel $0x88, $3  }
0x1: {  	(tag) =	ssettag $0x0;
	lr =	simm.s32 $0x1  }
0x2: {  	[smem:$0x3F9B] =	sst lr;
	_ =	strace $0xD0000000  }
0x3: {  	_ = 	snop  }
0x4: {  	_ = 	snop  }
0x5: {  	_ = 	snop  }
0x6: {  	_ = 	snop  }
0x7: {  	_ = 	snop  }
__scs_overlays_trampoline_lowered:
0x8: {  	[smem:$0x3FAA] =	sst s0  }
0x9: {  	[smem:$0x3FAB] =	sst s1  }
0xa: {  	[smem:$0x3FAC] =	sst s2  }
0xb: {  	[smem:$0x3FAD] =	sst s3  }
0xc: {  	[smem:$0x3FAE] =	sst s4  }
0xd: {  	[smem:$0x3FAF] =	sst s5  }
0xe: {  	[smem:$0x3FB0] =	sst s6  }
0xf: {  	[smem:$0x3FB1] =	sst s7  }
0x10: {  	[smem:$0x3FB2] =	sst s8  }
0x11: {  	[smem:$0x3FB3] =	sst s9;
	s0 =	simm.s32 @!p0 $0x0  }
0x12: {  	s1 =	sld [smem:$0x3F99];
	s0 =	simm.s32 @p0 $0x1  }
0x13: {  	[smem:$0x3FB4] =	sst s0;
	s0 =	simm.s32 @!p1 $0x0  }
0x14: {  	s2 =	sld [smem:$0x3F98];
	s0 =	simm.s32 @p1 $0x1  }
0x15: {  	[smem:$0x3FB5] =	sst s0;
	s0 =	simm.s32 @!p2 $0x0  }
0x16: {  	s3 =	sld [smem:$0x3FDB];
	s0 =	simm.s32 @p2 $0x1  }
0x17: {  	s4 =	simm.s32 $0x1BF5;
	[smem:$0x3FB7] =	sst s0  }
0x18: {  	s0 =	sld [smem:$0x3F9A];
	_ =	swait.ge [sflag:s4], $0x0  }
0x19: {  	s7 =	sld [smem:$0x3F9B]  }
0x1a: {  	s8 =	sadd.s32 $0xFFFFE003, lr  }
0x1b: {  	s9 =	sadd.s32 $0xFFFFFEF7, lr;
	s5 =	simm.s32 $0xFFFFFFFF;
	p2 =	slt.u32 s8, $0xFFFFF086  }
0x1c: {  	p1 =	slt.u32 s9, $0xF7A;
	s5 =	simm.s32 @!p2 $0x0  }
0x1d: {  	s5 =	simm.s32 @p1 $0x1;
	p0 =	seq.s32 s7, s2  }
0x1e: {  	s7 =	smul.u32 @!p0 $0xF7A, s2;
	p2 =	seq.s32 @!p0 s5, $0x0  }
0x1f: {  	s9 =	smul.u32 $0xF7A, s1;
	s8 =	simm.s32 @!p0 $0x1BF5;
	p2 =	por !p2, p0  }
0x20: {  	[sflag:s8] =	ssyncset.s32 @!p0 $0xFFFFF086;
	s6 =	sadd.s32 @!p0 s3, s7;
	s7 =	simm.s32 @!p0 $0x108  }
0x21: {  	s3 =	sadd.s32 s3, s9;
	s6 =	sadd.s32 @!p0 $0x88, s6;
	s7 =	simm.s32 @p2 $0x1082  }
0x22: {  	[simem:s7], [sflag:s8] =	dma.local @!p0 [hbm:s6], $0xF7A  }
0x23: {  	s9 =	sor.u32 $0xD0000000, s2;
	s6 =	simm.s32 $0x108;
	_ =	swait.ge @!p0 [sflag:s8], $0x0  }
0x24: {  	s3 =	sadd.s32 $0x88, s3;
	s6 =	simm.s32 @!p1 $0x1082;
	[sflag:s4] =	ssyncset.s32 $0xFFFFF086  }
0x25: {  	[simem:s6], [sflag:s4] =	dma.local [hbm:s3], $0xF7A  }
0x26: {  	[smem:$0x3F9B] =	sst s1;
	(tag) =	ssettag s2;
	_ =	strace s9  }
0x27: {  	s1 =	sld [smem:$0x3FAB]  }
0x28: {  	s2 =	sld [smem:$0x3FAC]  }
0x29: {  	s4 =	sld [smem:$0x3FAE]  }
0x2a: {  	p0 =	seq.s32 s5, $0x0;
	s5 =	sld [smem:$0x3FAF]  }
0x2b: {  	s6 =	sld [smem:$0x3FB0]  }
0x2c: {  	s7 =	sld [smem:$0x3FB1]  }
0x2d: {  	s3 =	simm.s32 $0x108;
	s8 =	sld [smem:$0x3FB2]  }
0x2e: {  	s3 =	simm.s32 @!p0 $0x1082;
	s9 =	sld [smem:$0x3FB3]  }
0x2f: {  	lr =	sadd.s32 s0, s3;
	s0 =	sld [smem:$0x3FAA]  }
0x30: {  	s3 =	sld [smem:$0x3FAD]  }
0x31: {  	[smem:$0x3FB6] =	sst s10  }
0x32: {  	s10 =	sld [smem:$0x3FB4];
	_ =	sdelay $0x3  }
0x33: {  	p0 =	seq.s32 s10, $0x1;
	s10 =	sld [smem:$0x3FB6];
	_ =	sdelay $0x3  }
0x34: {  	[smem:$0x3FB6] =	sst s10  }
0x35: {  	s10 =	sld [smem:$0x3FB5];
	_ =	sdelay $0x3  }
0x36: {  	p1 =	seq.s32 s10, $0x1;
	s10 =	sld [smem:$0x3FB6];
	_ =	sdelay $0x3  }
0x37: {  	[smem:$0x3FB6] =	sst s10  }
0x38: {  	s10 =	sld [smem:$0x3FB7]  }
0x39: {  	_ = 	snop;
	(pc) =	sbr.ind lr, $3  }
0x3a: {  	_ = 	snop  }
0x3b: {  	_ = 	snop  }
0x3c: {  	p2 =	seq.s32 s10, $0x1;
	s10 =	sld [smem:$0x3FB6]  }
0x3d: {  	_ =	shalt  }
0x3e: {  	_ =	shalt  }
0x3f: {  	_ =	shalt  }
0x40: {  	_ =	shalt  }
0x41: {  	_ =	shalt  }
0x42: {  	_ =	shalt  }
0x43: {  	_ =	shalt  }
0x44: {  	_ =	shalt  }
0x45: {  	_ =	shalt  }
0x46: {  	_ =	shalt  }
0x47: {  	_ =	shalt  }
0x48: {  	_ =	shalt  }
0x49: {  	_ =	shalt  }
0x4a: {  	_ =	shalt  }
0x4b: {  	_ =	shalt  }
0x4c: {  	_ =	shalt  }
0x4d: {  	_ =	shalt  }
0x4e: {  	_ =	shalt  }
0x4f: {  	_ =	shalt  }
0x50: {  	_ =	shalt  }
0x51: {  	_ =	shalt  }
0x52: {  	_ =	shalt  }
0x53: {  	_ =	shalt  }
0x54: {  	_ =	shalt  }
0x55: {  	_ =	shalt  }
0x56: {  	_ =	shalt  }
0x57: {  	_ =	shalt  }
0x58: {  	_ =	shalt  }
0x59: {  	_ =	shalt  }
0x5a: {  	_ =	shalt  }
0x5b: {  	_ =	shalt  }
0x5c: {  	_ =	shalt  }
0x5d: {  	_ =	shalt  }
0x5e: {  	_ =	shalt  }
0x5f: {  	_ =	shalt  }
0x60: {  	_ =	shalt  }
0x61: {  	_ =	shalt  }
0x62: {  	_ =	shalt  }
0x63: {  	_ =	shalt  }
0x64: {  	_ =	shalt  }
0x65: {  	_ =	shalt  }
0x66: {  	_ =	shalt  }
0x67: {  	_ =	shalt  }
0x68: {  	_ =	shalt  }
0x69: {  	_ =	shalt  }
0x6a: {  	_ =	shalt  }
0x6b: {  	_ =	shalt  }
0x6c: {  	_ =	shalt  }
0x6d: {  	_ =	shalt  }
0x6e: {  	_ =	shalt  }
0x6f: {  	_ =	shalt  }
0x70: {  	_ =	shalt  }
0x71: {  	_ =	shalt  }
0x72: {  	_ =	shalt  }
0x73: {  	_ =	shalt  }
0x74: {  	_ =	shalt  }
0x75: {  	_ =	shalt  }
0x76: {  	_ =	shalt  }
0x77: {  	_ =	shalt  }
0x78: {  	_ =	shalt  }
0x79: {  	_ =	shalt  }
0x7a: {  	_ =	shalt  }
0x7b: {  	_ =	shalt  }
0x7c: {  	_ =	shalt  }
0x7d: {  	_ =	shalt  }
0x7e: {  	_ =	shalt  }
0x7f: {  	_ =	shalt  }
0x80: {  	_ =	shalt  }
0x81: {  	_ =	shalt  }
0x82: {  	_ =	shalt  }
0x83: {  	_ =	shalt  }
0x84: {  	_ =	shalt  }
0x85: {  	_ =	shalt  }
0x86: {  	_ =	shalt  }
0x87: {  	_ =	shalt  }
.Lfunc_end0:
.L_simem_size_0:
called_computation_lowered:
.L_overlay_start_0:
0x88: {  	s2 =	sld [smem:$0x3FD9]  }
0x89: {  	s3 =	sld [smem:$0x3FFE];
	_ =	sdelay $0x1  }
0x8a: {  	s1 =	srdreg.scid  }
0x8b: {  	s0 =	sand.u32 $0x1, s1  }
0x8c: {  	s17 =	sshll.u32 s0, $0xA;
	s2 =	sadd.s32 s3, s2  }
0x8d: {  	s2 =	sadd.s32 s2, s17  }
0x8e: {  	[smem:$0x3FC2] =	sst s2  }
0x8f: {  	_ = 	snop  }
0x90: {  	s2 =	sld [smem:$0x3FC8];
	(tm) =	ssettm $0x1  }
0x91: {  	s18 =	sld [smem:$0x3FFB];
	_ =	sdelay $0x3  }
0x92: {  	_ =	strace s18  }
0x93: {  	s3 =	sld [smem:$0x3FFC];
	_ =	sdelay $0x3  }
0x94: {  	_ =	strace s3  }
0x95: {  	s3 =	sld [smem:$0x3FFD];
	_ =	sdelay $0x3  }
0x96: {  	_ =	strace s3  }
0x97: {  	_ =	strace $0x8FFFFFFF  }
0x98: {  	s19 =	sld [smem:$0x3FDB];
	_ =	sdelay $0x1  }
0x99: {  	s4 =	simm.s32 $_scs_section_size  }
0x9a: {  	s5 =	simm.s32 $_size__tile_overlayer_lowered;
	s6 =	simm.s32 $_tile_overlayer_lowered  }
0x9b: {  	s22 =	simm.s32 $0x1BFF;
	s21 =	sshll.u32 s6, $0x1;
	s3 =	sadd.s32 s4, s19  }
0x9c: {  	s7 =	simm.s32 $0x0;
	s20 =	sshll.u32 s5, $0x1;
	s5 =	sadd.s32 s21, s3  }
0x9d: {  	[timem:s7], [sflag:s22] =	dma.local [hbm:s5], s20  }
0x9e: {  	_ =	swait.ge [sflag:s22], s20  }
0x9f: {  	s4 =	ssub.s32 $0x0, s20;
	[sflag:s22] =	ssyncset.done $0x0  }
0xa0: {  	[sflag:s22] =	ssyncadd.s32 s4;
	_ =	sdelay $0x1  }
0xa1: {  	s23 =	simm.s32 $0x1B8B  }
0xa2: {  	_ =	swait.ge [sflag:s23], $0x1  }
0xa3: {  	[sflag:s23] =	ssyncset.done $0x0  }
0xa4: {  	s25 =	simm.s32 $0x1B8E;
	s24 =	sld [smem:$0x3FFE];
	[sflag:s23] =	ssyncadd.s32 $0xFFFFFFFF  }
0xa5: {  	s26 =	simm.s32 $execute0_lowered;
	[smem:$0x3FD2] =	sst s25  }
0xa6: {  	s5 =	sshll.u32 s26, $0x1;
	_ =	strace $0x80000046;
	[dreg:$0x1] =	wrdreg $0xFFFFFFFF  }
0xa7: {  	s28 =	simm.s32 $_size_execute0_lowered;
	s3 =	sadd.s32 s3, s5;
	[dreg:$0x0] =	wrdreg $0x0  }
0xa8: {  	s5 =	sshll.u32 s28, $0x1;
	[dreg:$0x2] =	wrdreg s3  }
0xa9: {  	[dreg:$0x3] =	wrdreg s5  }
0xaa: {  	[dreg:$0x4] =	wrdreg $0xC0  }
0xab: {  	_ =	task [dreg:s7], $0x5FFFF  }
0xac: {  	[dreg:$0x1] =	wrdreg $0xFFFFFFFF  }
0xad: {  	[dreg:$0x0] =	wrdreg $0x60  }
0xae: {  	[dreg:$0x2] =	wrdreg s2  }
0xaf: {  	[dreg:$0x3] =	wrdreg s24  }
0xb0: {  	[dreg:$0x4] =	wrdreg $0x9  }
0xb1: {  	_ =	task.clear_ibuf [dreg:s7], $0x5FFFF;
	_ =	strace $0x90000046  }
0xb2: {  	s29 =	simm.s32 $0x9;
	_ =	strace $0x80000048  }
0xb3: {  	_ =	swait.ge [sflag:s29], $0x1  }
0xb4: {  	[sflag:s29] =	ssyncadd.s32 $0xFFFFFFFF  }
0xb5: {  	_ =	strace $0x90000048  }
0xb6: {  	_ =	sfence  }
0xb7: {  	s30 =	sld [smem:$0x0];
	_ =	sdelay $0x2  }
0xb8: {  	s31 =	sshll.u32 s1, $0xD;
	s1 =	sshrl.u32 s1, $0x2  }
0xb9: {  	s3 =	sand.u32 $0x4000, s31;
	s1 =	sadd.s32 s1, s30  }
0xba: {  	s0 =	sor.u32 s3, s0;
	s1 =	sshll.u32 s1, $0x11  }
0xbb: {  	s0 =	sor.u32 s1, s0  }
0xbc: {  	s0 =	sadd.s32 $0x8F2B, s0  }
0xbd: {  	[sflag:s0] =	ssyncadd.remote.s32 $0x1  }
0xbe: {  	_ =	sfence.sel $0xFFFF  }
0xbf: {  	[dreg:$0x0] =	wrdreg $0xFFFFFFFF;
	(pc) =	sbr.abs _section_cstart, $3  }
0xc0: {  	[dreg:$0x1] =	wrdreg $0xFFFFFFFF  }
0xc1: {  	_ =	task.clear_ibuf [dreg:s7], $0x2FFFF;
	_ =	strace $0x9FFFFFFF  }
0xc2: {  	(tm) =	ssettm $0x7FFFFFFF  }
0xc3: {  	_ =	shalt  }
tec
execute0_lowered:
.L_overlay_start_1:
0x0: {  	(tag) =	ssettag $0x1  }
0x1: {  	s1 =	srdreg.scid;
	s0 =	stileid.u32  }
0x2: {  	s23 =	sand.u32 $0x1, s1;
	s30 =	sshll.u32 s0, $0x1  }
0x3: {  	s2 =	rddreg [dreg:$0x0];
	s11 =	sor.u32 s23, s30  }
0x4: {  	s10 =	rddreg [dreg:$0x1];
	s4 =	smul.u32 $0x64, s11  }
0x5: {  	s3 =	simm.s32 $0x0;
	s1 =	rddreg [dreg:$0x2]  }
0x6: {  	[smem:$0x7FF] =	sst s3;
	s4 =	sadd.s32 s4, s10  }
0x7: {  	_ =	strace $0x80000047;
	s5 =	sadd.s32 $0x1200, s4;
	s4 =	simm.s32 $0x3  }
0x8: {  	[tilespmem:s3], [sflag:$0x3] =	stream.linear.gather [hbm4b:s5+s3], $0x320, $0x38;
	[tilespmem:$0x8380] =	vst v63  }
0x9: {  	_ =	swait.ge [sflag:s4], $0x320  }
0xa: {  	[sflag:s4] =	ssyncset.done $0x0  }
0xb: {  	s6 =	simm.s32 $0x80;
	s7 =	simm.s32 $0x380;
	[sflag:s4] =	ssyncadd.s32 $0xFFFFFCE0  }
0xc: {  	[tilespmem:s7], [sflag:$0x1] =	stream.indirect.gather [hbm4b:s2+s6], $0x80, s3, s6, $0xb8;
	[tilespmem:$0x8380] =	vst v63  }
0xd: {  	s8 =	simm.s32 $0x4380;
	s9 =	simm.s32 $0x1  }
0xe: {  	[tilespmem:s8], [sflag:$0x2] =	stream.indirect.gather [hbm4b:s2+s6], $0x80, s6, s6, $0xb8;
	[tilespmem:$0x8380] =	vst v63  }
0xf: {  	s12 =	smul.u32 $0x3200, s11;
	_ =	swait.ge [sflag:s9], $0x4000  }
0x10: {  	s13 =	sadd.s32 $0x2000, s10;
	[sflag:s9] =	ssyncset.done $0x0  }
0x11: {  	s10 =	sadd.s32 s13, s12;
	[sflag:s9] =	ssyncadd.s32 $0xFFFFC000  }
0x12: {  	[hbm4b:s10+s3] =	stream.linear.scatter [tilespmem:s7], [sflag:$0x3], $0x4000, $0x38;
	[tilespmem:$0x8380] =	vst v63  }
0x13: {  	_ =	swait.ge [sflag:s4], $0x4000  }
0x14: {  	s14 =	smul.u32 $0x19000, s11;
	[sflag:s4] =	ssyncset.done $0x0  }
0x15: {  	s11 =	simm.s32 $0x100;
	s12 =	simm.s32 $0x2;
	[sflag:s4] =	ssyncadd.s32 $0xFFFFC000  }
0x16: {  	[tilespmem:s7], [sflag:$0x1] =	stream.indirect.gather [hbm4b:s2+s6], $0x80, s11, s6, $0xb8;
	[tilespmem:$0x8380] =	vst v63  }
0x17: {  	s14 =	sshrl.u32 s14, $0x3;
	_ =	swait.ge [sflag:s12], $0x4000  }
0x18: {  	s24 =	sadd.s32 s13, s14;
	[sflag:s12] =	ssyncset.done $0x0  }
0x19: {  	s13 =	sadd.s32 $0x800, s24;
	[sflag:s12] =	ssyncadd.s32 $0xFFFFC000  }
0x1a: {  	[hbm4b:s13+s3] =	stream.linear.scatter [tilespmem:s8], [sflag:$0x3], $0x4000, $0x38;
	[tilespmem:$0x8380] =	vst v63  }
0x1b: {  	_ =	swait.ge [sflag:s4], $0x4000  }
0x1c: {  	[sflag:s4] =	ssyncset.done $0x0  }
0x1d: {  	s14 =	simm.s32 $0x180;
	[sflag:s4] =	ssyncadd.s32 $0xFFFFC000  }
0x1e: {  	[tilespmem:s8], [sflag:$0x2] =	stream.indirect.gather [hbm4b:s2+s6], $0x80, s14, s6, $0xb8;
	[tilespmem:$0x8380] =	vst v63  }
0x1f: {  	_ =	swait.ge [sflag:s9], $0x4000  }
0x20: {  	[sflag:s9] =	ssyncset.done $0x0  }
0x21: {  	s15 =	sadd.s32 $0x1000, s24;
	[sflag:s9] =	ssyncadd.s32 $0xFFFFC000  }
0x22: {  	[hbm4b:s15+s3] =	stream.linear.scatter [tilespmem:s7], [sflag:$0x3], $0x4000, $0x38;
	[tilespmem:$0x8380] =	vst v63  }
0x23: {  	_ =	swait.ge [sflag:s4], $0x4000  }
0x24: {  	[sflag:s4] =	ssyncset.done $0x0  }
0x25: {  	s16 =	simm.s32 $0x200;
	[sflag:s4] =	ssyncadd.s32 $0xFFFFC000  }
0x26: {  	[tilespmem:s7], [sflag:$0x1] =	stream.indirect.gather [hbm4b:s2+s6], $0x80, s16, s6, $0xb8;
	[tilespmem:$0x8380] =	vst v63  }
0x27: {  	_ =	swait.ge [sflag:s12], $0x4000  }
0x28: {  	[sflag:s12] =	ssyncset.done $0x0  }
0x29: {  	s17 =	sadd.s32 $0x1800, s24;
	[sflag:s12] =	ssyncadd.s32 $0xFFFFC000  }
0x2a: {  	[hbm4b:s17+s3] =	stream.linear.scatter [tilespmem:s8], [sflag:$0x3], $0x4000, $0x38;
	[tilespmem:$0x8380] =	vst v63  }
0x2b: {  	_ =	swait.ge [sflag:s4], $0x4000  }
0x2c: {  	[sflag:s4] =	ssyncset.done $0x0  }
0x2d: {  	s18 =	simm.s32 $0x280;
	[sflag:s4] =	ssyncadd.s32 $0xFFFFC000  }
0x2e: {  	[tilespmem:s8], [sflag:$0x2] =	stream.indirect.gather [hbm4b:s2+s6], $0x80, s18, s6, $0xb8;
	[tilespmem:$0x8380] =	vst v63  }
0x2f: {  	_ =	swait.ge [sflag:s9], $0x4000  }
0x30: {  	[sflag:s9] =	ssyncset.done $0x0  }
0x31: {  	s19 =	sadd.s32 $0x2000, s24;
	[sflag:s9] =	ssyncadd.s32 $0xFFFFC000  }
0x32: {  	[hbm4b:s19+s3] =	stream.linear.scatter [tilespmem:s7], [sflag:$0x3], $0x4000, $0x38;
	[tilespmem:$0x8380] =	vst v63  }
0x33: {  	_ =	swait.ge [sflag:s4], $0x4000  }
0x34: {  	[sflag:s4] =	ssyncset.done $0x0  }
0x35: {  	s20 =	simm.s32 $0x20;
	s21 =	simm.s32 $0x300;
	[sflag:s4] =	ssyncadd.s32 $0xFFFFC000  }
0x36: {  	[tilespmem:s7], [sflag:$0x1] =	stream.indirect.gather [hbm4b:s2+s20], $0x80, s21, s20, $0xb8;
	[tilespmem:$0x8380] =	vst v63  }
0x37: {  	_ =	swait.ge [sflag:s12], $0x4000  }
0x38: {  	[sflag:s12] =	ssyncset.done $0x0  }
0x39: {  	s23 =	ssub.s32 $0x2, s23;
	s22 =	sadd.s32 $0x2800, s24;
	[sflag:s12] =	ssyncadd.s32 $0xFFFFC000  }
0x3a: {  	[hbm4b:s22+s3] =	stream.linear.scatter [tilespmem:s8], [sflag:$0x3], $0x4000, $0x38;
	[tilespmem:$0x8380] =	vst v63  }
0x3b: {  	s25 =	sshrl.u32 s23, $0x1;
	_ =	swait.ge [sflag:s4], $0x4000  }
0x3c: {  	s25 =	ssub.s32 s23, s25;
	[sflag:s4] =	ssyncset.done $0x0  }
0x3d: {  	s31 =	smax.u32 s25, $0x1;
	[sflag:s4] =	ssyncadd.s32 $0xFFFFC000  }
0x3e: {  	p0 =	sne.s32 s31, $0x1;
	_ =	swait.ge [sflag:s9], $0x1000  }
.Ltmp0:
0x3f: {  	[sflag:s9] =	ssyncset.done $0x0;
	(pc) =	sbr.rel @!p0 .LBB2_2-.Ltmp0, $4  }
0x40: {  	s23 =	sadd.s32 $0x3000, s24;
	[sflag:s9] =	ssyncadd.s32 $0xFFFFF000  }
0x41: {  	[hbm4b:s23+s3] =	stream.linear.scatter [tilespmem:s7], [sflag:$0x3], $0x1000, $0x38;
	[tilespmem:$0x8380] =	vst v63  }
0x42: {  	_ =	swait.ge [sflag:s4], $0x1000  }
0x43: {  	s24 =	sadd.s32 $0xFFFFFFFF, s31;
	[sflag:s4] =	ssyncset.done $0x0  }
.LBB2_1:
0x44: {  	p0 =	sne.s32 s24, $0x1;
	s24 =	sadd.s32 $0xFFFFFFFF, s24;
	[sflag:s4] =	ssyncadd.s32 $0xFFFFF000  }
0x45: {  	[tilespmem:s3], [sflag:$0x3] =	stream.linear.gather [hbm4b:s5+s3], $0x320, $0x38;
	[tilespmem:$0x8380] =	vst v63  }
0x46: {  	_ =	swait.ge [sflag:s4], $0x320  }
0x47: {  	[sflag:s4] =	ssyncset.done $0x0  }
0x48: {  	[sflag:s4] =	ssyncadd.s32 $0xFFFFFCE0  }
0x49: {  	[tilespmem:s7], [sflag:$0x1] =	stream.indirect.gather [hbm4b:s2+s6], $0x80, s3, s6, $0xb8;
	[tilespmem:$0x8380] =	vst v63  }
0x4a: {  	_ = 	snop  }
0x4b: {  	[tilespmem:s8], [sflag:$0x2] =	stream.indirect.gather [hbm4b:s2+s6], $0x80, s6, s6, $0xb8;
	[tilespmem:$0x8380] =	vst v63  }
0x4c: {  	_ =	swait.ge [sflag:s9], $0x4000  }
0x4d: {  	[sflag:s9] =	ssyncset.done $0x0  }
0x4e: {  	[sflag:s9] =	ssyncadd.s32 $0xFFFFC000  }
0x4f: {  	[hbm4b:s10+s3] =	stream.linear.scatter [tilespmem:s7], [sflag:$0x3], $0x4000, $0x38;
	[tilespmem:$0x8380] =	vst v63  }
0x50: {  	_ =	swait.ge [sflag:s4], $0x4000  }
0x51: {  	[sflag:s4] =	ssyncset.done $0x0  }
0x52: {  	[sflag:s4] =	ssyncadd.s32 $0xFFFFC000  }
0x53: {  	[tilespmem:s7], [sflag:$0x1] =	stream.indirect.gather [hbm4b:s2+s6], $0x80, s11, s6, $0xb8;
	[tilespmem:$0x8380] =	vst v63  }
0x54: {  	_ =	swait.ge [sflag:s12], $0x4000  }
0x55: {  	[sflag:s12] =	ssyncset.done $0x0  }
0x56: {  	[sflag:s12] =	ssyncadd.s32 $0xFFFFC000  }
0x57: {  	[hbm4b:s13+s3] =	stream.linear.scatter [tilespmem:s8], [sflag:$0x3], $0x4000, $0x38;
	[tilespmem:$0x8380] =	vst v63  }
0x58: {  	_ =	swait.ge [sflag:s4], $0x4000  }
0x59: {  	[sflag:s4] =	ssyncset.done $0x0  }
0x5a: {  	[sflag:s4] =	ssyncadd.s32 $0xFFFFC000  }
0x5b: {  	[tilespmem:s8], [sflag:$0x2] =	stream.indirect.gather [hbm4b:s2+s6], $0x80, s14, s6, $0xb8;
	[tilespmem:$0x8380] =	vst v63  }
0x5c: {  	_ =	swait.ge [sflag:s9], $0x4000  }
0x5d: {  	[sflag:s9] =	ssyncset.done $0x0  }
0x5e: {  	[sflag:s9] =	ssyncadd.s32 $0xFFFFC000  }
0x5f: {  	[hbm4b:s15+s3] =	stream.linear.scatter [tilespmem:s7], [sflag:$0x3], $0x4000, $0x38;
	[tilespmem:$0x8380] =	vst v63  }
0x60: {  	_ =	swait.ge [sflag:s4], $0x4000  }
0x61: {  	[sflag:s4] =	ssyncset.done $0x0  }
0x62: {  	[sflag:s4] =	ssyncadd.s32 $0xFFFFC000  }
0x63: {  	[tilespmem:s7], [sflag:$0x1] =	stream.indirect.gather [hbm4b:s2+s6], $0x80, s16, s6, $0xb8;
	[tilespmem:$0x8380] =	vst v63  }
0x64: {  	_ =	swait.ge [sflag:s12], $0x4000  }
0x65: {  	[sflag:s12] =	ssyncset.done $0x0  }
0x66: {  	[sflag:s12] =	ssyncadd.s32 $0xFFFFC000  }
0x67: {  	[hbm4b:s17+s3] =	stream.linear.scatter [tilespmem:s8], [sflag:$0x3], $0x4000, $0x38;
	[tilespmem:$0x8380] =	vst v63  }
0x68: {  	_ =	swait.ge [sflag:s4], $0x4000  }
0x69: {  	[sflag:s4] =	ssyncset.done $0x0  }
0x6a: {  	[sflag:s4] =	ssyncadd.s32 $0xFFFFC000  }
0x6b: {  	[tilespmem:s8], [sflag:$0x2] =	stream.indirect.gather [hbm4b:s2+s6], $0x80, s18, s6, $0xb8;
	[tilespmem:$0x8380] =	vst v63  }
0x6c: {  	_ =	swait.ge [sflag:s9], $0x4000  }
0x6d: {  	[sflag:s9] =	ssyncset.done $0x0  }
0x6e: {  	[sflag:s9] =	ssyncadd.s32 $0xFFFFC000  }
0x6f: {  	[hbm4b:s19+s3] =	stream.linear.scatter [tilespmem:s7], [sflag:$0x3], $0x4000, $0x38;
	[tilespmem:$0x8380] =	vst v63  }
0x70: {  	_ =	swait.ge [sflag:s4], $0x4000  }
0x71: {  	[sflag:s4] =	ssyncset.done $0x0  }
0x72: {  	[sflag:s4] =	ssyncadd.s32 $0xFFFFC000  }
0x73: {  	[tilespmem:s7], [sflag:$0x1] =	stream.indirect.gather [hbm4b:s2+s20], $0x80, s21, s20, $0xb8;
	[tilespmem:$0x8380] =	vst v63  }
0x74: {  	_ =	swait.ge [sflag:s12], $0x4000  }
0x75: {  	[sflag:s12] =	ssyncset.done $0x0  }
0x76: {  	[sflag:s12] =	ssyncadd.s32 $0xFFFFC000  }
0x77: {  	[hbm4b:s22+s3] =	stream.linear.scatter [tilespmem:s8], [sflag:$0x3], $0x4000, $0x38;
	[tilespmem:$0x8380] =	vst v63  }
0x78: {  	_ =	swait.ge [sflag:s4], $0x4000  }
0x79: {  	[sflag:s4] =	ssyncset.done $0x0  }
0x7a: {  	[sflag:s4] =	ssyncadd.s32 $0xFFFFC000  }
0x7b: {  	_ =	swait.ge [sflag:s9], $0x1000  }
.Ltmp1:
0x7c: {  	[sflag:s9] =	ssyncset.done $0x0;
	(pc) =	sbr.rel @p0 .LBB2_1-.Ltmp1, $4  }
0x7d: {  	[sflag:s9] =	ssyncadd.s32 $0xFFFFF000  }
0x7e: {  	[hbm4b:s23+s3] =	stream.linear.scatter [tilespmem:s7], [sflag:$0x3], $0x1000, $0x38;
	[tilespmem:$0x8380] =	vst v63  }
0x7f: {  	_ =	swait.ge [sflag:s4], $0x1000  }
0x80: {  	[sflag:s4] =	ssyncset.done $0x0  }
.LBB2_2:
0x81: {  	[sflag:s4] =	ssyncadd.s32 $0xFFFFF000  }
0x82: {  	_ =	sfence.sel $0x180000  }
0x83: {  	[bflag:$0x0] =	sbarrier.arrive $0xFFFF  }
0x84: {  	p0 =	sne.s32 s0, $0x0;
	_ =	strace $0x90000047  }
0x85: {  	s0 =	sadd.s32 @!p0 $0x100000, s1;
	[bflag:$0x2] =	sbarrier.arrive $0xFFFF  }
0x86: {  	[sflag:s0] =	ssyncadd.tile.s32 @!p0 $0x1;
	_ =	shalt  }
.Lfunc_end2:
_tile_overlayer_lowered:
.L_overlay_start_2:
0x87: {  	(tag) =	ssettag $0x2  }
0x88: {  	s0 =	rddreg [dreg:$0x0];
	s2 =	stileid.u32  }
0x89: {  	s1 =	rddreg [dreg:$0x1];
	p0 =	sne.s32 s2, $0x0  }
0x8a: {  	s3 =	rddreg [dreg:$0x2];
	[bflag:$0x3] =	sbarrier.arrive $0xFFFF;
	s2 =	simm.s32 @!p0 $0x1C03  }
0x8b: {  	[timem:s3], [sflag:s2] =	dma.local @!p0 [hbm:s0], s1  }
0x8c: {  	s0 =	simm.s32 @!p0 $0x3  }
0x8d: {  	_ =	swait.ge @!p0 [sflag:s0], s1  }
0x8e: {  	s1 =	ssub.s32 @!p0 $0x0, s1;
	[sflag:s0] =	ssyncset.done @!p0 $0x0  }
0x8f: {  	[sflag:s0] =	ssyncadd.s32 @!p0 s1  }
0x90: {  	[bflag:$0x3] =	sbarrier.arrive $0xFFFF  }
0x91: {  	_ =	shalt  }

// kernel: kernel.9.cloned.1.call-start
scs
__scs_entry_jumppad:
0x0: {  	(pc) =	sbr.rel $0x88, $3  }
0x1: {  	(tag) =	ssettag $0x0;
	lr =	simm.s32 $0x1  }
0x2: {  	[smem:$0x3F9B] =	sst lr;
	_ =	strace $0xD0000000  }
0x3: {  	_ = 	snop  }
0x4: {  	_ = 	snop  }
0x5: {  	_ = 	snop  }
0x6: {  	_ = 	snop  }
0x7: {  	_ = 	snop  }
__scs_overlays_trampoline_lowered:
0x8: {  	[smem:$0x3FAA] =	sst s0  }
0x9: {  	[smem:$0x3FAB] =	sst s1  }
0xa: {  	[smem:$0x3FAC] =	sst s2  }
0xb: {  	[smem:$0x3FAD] =	sst s3  }
0xc: {  	[smem:$0x3FAE] =	sst s4  }
0xd: {  	[smem:$0x3FAF] =	sst s5  }
0xe: {  	[smem:$0x3FB0] =	sst s6  }
0xf: {  	[smem:$0x3FB1] =	sst s7  }
0x10: {  	[smem:$0x3FB2] =	sst s8  }
0x11: {  	[smem:$0x3FB3] =	sst s9;
	s0 =	simm.s32 @!p0 $0x0  }
0x12: {  	s1 =	sld [smem:$0x3F99];
	s0 =	simm.s32 @p0 $0x1  }
0x13: {  	[smem:$0x3FB4] =	sst s0;
	s0 =	simm.s32 @!p1 $0x0  }
0x14: {  	s2 =	sld [smem:$0x3F98];
	s0 =	simm.s32 @p1 $0x1  }
0x15: {  	[smem:$0x3FB5] =	sst s0;
	s0 =	simm.s32 @!p2 $0x0  }
0x16: {  	s3 =	sld [smem:$0x3FDB];
	s0 =	simm.s32 @p2 $0x1  }
0x17: {  	s4 =	simm.s32 $0x1BF5;
	[smem:$0x3FB7] =	sst s0  }
0x18: {  	s0 =	sld [smem:$0x3F9A];
	_ =	swait.ge [sflag:s4], $0x0  }
0x19: {  	s7 =	sld [smem:$0x3F9B]  }
0x1a: {  	s8 =	sadd.s32 $0xFFFFE003, lr  }
0x1b: {  	s9 =	sadd.s32 $0xFFFFFEF7, lr;
	s5 =	simm.s32 $0xFFFFFFFF;
	p2 =	slt.u32 s8, $0xFFFFF086  }
0x1c: {  	p1 =	slt.u32 s9, $0xF7A;
	s5 =	simm.s32 @!p2 $0x0  }
0x1d: {  	s5 =	simm.s32 @p1 $0x1;
	p0 =	seq.s32 s7, s2  }
0x1e: {  	s7 =	smul.u32 @!p0 $0xF7A, s2;
	p2 =	seq.s32 @!p0 s5, $0x0  }
0x1f: {  	s9 =	smul.u32 $0xF7A, s1;
	s8 =	simm.s32 @!p0 $0x1BF5;
	p2 =	por !p2, p0  }
0x20: {  	[sflag:s8] =	ssyncset.s32 @!p0 $0xFFFFF086;
	s6 =	sadd.s32 @!p0 s3, s7;
	s7 =	simm.s32 @!p0 $0x108  }
0x21: {  	s3 =	sadd.s32 s3, s9;
	s6 =	sadd.s32 @!p0 $0x88, s6;
	s7 =	simm.s32 @p2 $0x1082  }
0x22: {  	[simem:s7], [sflag:s8] =	dma.local @!p0 [hbm:s6], $0xF7A  }
0x23: {  	s9 =	sor.u32 $0xD0000000, s2;
	s6 =	simm.s32 $0x108;
	_ =	swait.ge @!p0 [sflag:s8], $0x0  }
0x24: {  	s3 =	sadd.s32 $0x88, s3;
	s6 =	simm.s32 @!p1 $0x1082;
	[sflag:s4] =	ssyncset.s32 $0xFFFFF086  }
0x25: {  	[simem:s6], [sflag:s4] =	dma.local [hbm:s3], $0xF7A  }
0x26: {  	[smem:$0x3F9B] =	sst s1;
	(tag) =	ssettag s2;
	_ =	strace s9  }
0x27: {  	s1 =	sld [smem:$0x3FAB]  }
0x28: {  	s2 =	sld [smem:$0x3FAC]  }
0x29: {  	s4 =	sld [smem:$0x3FAE]  }
0x2a: {  	p0 =	seq.s32 s5, $0x0;
	s5 =	sld [smem:$0x3FAF]  }
0x2b: {  	s6 =	sld [smem:$0x3FB0]  }
0x2c: {  	s7 =	sld [smem:$0x3FB1]  }
0x2d: {  	s3 =	simm.s32 $0x108;
	s8 =	sld [smem:$0x3FB2]  }
0x2e: {  	s3 =	simm.s32 @!p0 $0x1082;
	s9 =	sld [smem:$0x3FB3]  }
0x2f: {  	lr =	sadd.s32 s0, s3;
	s0 =	sld [smem:$0x3FAA]  }
0x30: {  	s3 =	sld [smem:$0x3FAD]  }
0x31: {  	[smem:$0x3FB6] =	sst s10  }
0x32: {  	s10 =	sld [smem:$0x3FB4];
	_ =	sdelay $0x3  }
0x33: {  	p0 =	seq.s32 s10, $0x1;
	s10 =	sld [smem:$0x3FB6];
	_ =	sdelay $0x3  }
0x34: {  	[smem:$0x3FB6] =	sst s10  }
0x35: {  	s10 =	sld [smem:$0x3FB5];
	_ =	sdelay $0x3  }
0x36: {  	p1 =	seq.s32 s10, $0x1;
	s10 =	sld [smem:$0x3FB6];
	_ =	sdelay $0x3  }
0x37: {  	[smem:$0x3FB6] =	sst s10  }
0x38: {  	s10 =	sld [smem:$0x3FB7]  }
0x39: {  	_ = 	snop;
	(pc) =	sbr.ind lr, $3  }
0x3a: {  	_ = 	snop  }
0x3b: {  	_ = 	snop  }
0x3c: {  	p2 =	seq.s32 s10, $0x1;
	s10 =	sld [smem:$0x3FB6]  }
0x3d: {  	_ =	shalt  }
0x3e: {  	_ =	shalt  }
0x3f: {  	_ =	shalt  }
0x40: {  	_ =	shalt  }
0x41: {  	_ =	shalt  }
0x42: {  	_ =	shalt  }
0x43: {  	_ =	shalt  }
0x44: {  	_ =	shalt  }
0x45: {  	_ =	shalt  }
0x46: {  	_ =	shalt  }
0x47: {  	_ =	shalt  }
0x48: {  	_ =	shalt  }
0x49: {  	_ =	shalt  }
0x4a: {  	_ =	shalt  }
0x4b: {  	_ =	shalt  }
0x4c: {  	_ =	shalt  }
0x4d: {  	_ =	shalt  }
0x4e: {  	_ =	shalt  }
0x4f: {  	_ =	shalt  }
0x50: {  	_ =	shalt  }
0x51: {  	_ =	shalt  }
0x52: {  	_ =	shalt  }
0x53: {  	_ =	shalt  }
0x54: {  	_ =	shalt  }
0x55: {  	_ =	shalt  }
0x56: {  	_ =	shalt  }
0x57: {  	_ =	shalt  }
0x58: {  	_ =	shalt  }
0x59: {  	_ =	shalt  }
0x5a: {  	_ =	shalt  }
0x5b: {  	_ =	shalt  }
0x5c: {  	_ =	shalt  }
0x5d: {  	_ =	shalt  }
0x5e: {  	_ =	shalt  }
0x5f: {  	_ =	shalt  }
0x60: {  	_ =	shalt  }
0x61: {  	_ =	shalt  }
0x62: {  	_ =	shalt  }
0x63: {  	_ =	shalt  }
0x64: {  	_ =	shalt  }
0x65: {  	_ =	shalt  }
0x66: {  	_ =	shalt  }
0x67: {  	_ =	shalt  }
0x68: {  	_ =	shalt  }
0x69: {  	_ =	shalt  }
0x6a: {  	_ =	shalt  }
0x6b: {  	_ =	shalt  }
0x6c: {  	_ =	shalt  }
0x6d: {  	_ =	shalt  }
0x6e: {  	_ =	shalt  }
0x6f: {  	_ =	shalt  }
0x70: {  	_ =	shalt  }
0x71: {  	_ =	shalt  }
0x72: {  	_ =	shalt  }
0x73: {  	_ =	shalt  }
0x74: {  	_ =	shalt  }
0x75: {  	_ =	shalt  }
0x76: {  	_ =	shalt  }
0x77: {  	_ =	shalt  }
0x78: {  	_ =	shalt  }
0x79: {  	_ =	shalt  }
0x7a: {  	_ =	shalt  }
0x7b: {  	_ =	shalt  }
0x7c: {  	_ =	shalt  }
0x7d: {  	_ =	shalt  }
0x7e: {  	_ =	shalt  }
0x7f: {  	_ =	shalt  }
0x80: {  	_ =	shalt  }
0x81: {  	_ =	shalt  }
0x82: {  	_ =	shalt  }
0x83: {  	_ =	shalt  }
0x84: {  	_ =	shalt  }
0x85: {  	_ =	shalt  }
0x86: {  	_ =	shalt  }
0x87: {  	_ =	shalt  }
.Lfunc_end0:
.L_simem_size_0:
called_computation.1_lowered:
.L_overlay_start_0:
0x88: {  	s2 =	sld [smem:$0x3FD9]  }
0x89: {  	s3 =	sld [smem:$0x3FFE];
	_ =	sdelay $0x1  }
0x8a: {  	s1 =	srdreg.scid  }
0x8b: {  	s0 =	sand.u32 $0x1, s1  }
0x8c: {  	s17 =	sshll.u32 s0, $0xA;
	s2 =	sadd.s32 s3, s2  }
0x8d: {  	s2 =	sadd.s32 s2, s17  }
0x8e: {  	[smem:$0x3FC2] =	sst s2  }
0x8f: {  	_ = 	snop  }
0x90: {  	s4 =	sld [smem:$0x3FC8]  }
0x91: {  	s18 =	sld [smem:$0x3FD0];
	(tm) =	ssettm $0x1  }
0x92: {  	s19 =	sld [smem:$0x3FFB];
	_ =	sdelay $0x3  }
0x93: {  	_ =	strace s19  }
0x94: {  	s2 =	sld [smem:$0x3FFC];
	_ =	sdelay $0x3  }
0x95: {  	_ =	strace s2  }
0x96: {  	s2 =	sld [smem:$0x3FFD];
	_ =	sdelay $0x3  }
0x97: {  	_ =	strace s2  }
0x98: {  	_ =	strace $0x8FFFFFFF  }
0x99: {  	s20 =	sld [smem:$0x3FDB];
	_ =	sdelay $0x1  }
0x9a: {  	s5 =	simm.s32 $_scs_section_size  }
0x9b: {  	s6 =	simm.s32 $_size__tile_overlayer_lowered;
	s7 =	simm.s32 $_tile_overlayer_lowered  }
0x9c: {  	s8 =	simm.s32 $0x1BFF;
	s21 =	sshll.u32 s7, $0x1;
	s5 =	sadd.s32 s5, s20  }
0x9d: {  	s22 =	simm.s32 $0x0;
	s6 =	sshll.u32 s6, $0x1;
	s7 =	sadd.s32 s21, s5  }
0x9e: {  	[timem:s22], [sflag:s8] =	dma.local [hbm:s7], s6  }
0x9f: {  	_ =	swait.ge [sflag:s8], s6  }
0xa0: {  	s6 =	ssub.s32 $0x0, s6;
	[sflag:s8] =	ssyncset.done $0x0  }
0xa1: {  	[sflag:s8] =	ssyncadd.s32 s6;
	_ =	sdelay $0x1  }
0xa2: {  	s23 =	simm.s32 $0x1B8B  }
0xa3: {  	_ =	swait.ge [sflag:s23], $0x1  }
0xa4: {  	[sflag:s23] =	ssyncset.done $0x0  }
0xa5: {  	[sflag:s23] =	ssyncadd.s32 $0xFFFFFFFF  }
0xa6: {  	s6 =	sld [smem:$0x0]  }
0xa7: {  	s7 =	sand.u32 $0xFFFFFFFE, s1  }
0xa8: {  	p0 =	sne.s32 s1, s7  }
0xa9: {  	s7 =	sshll.u32 @p0 s7, $0xE  }
0xaa: {  	s7 =	sadd.s32 @p0 $0x11B8D, s7;
	s8 =	sshll.u32 @p0 s6, $0x11  }
0xab: {  	s7 =	sor.u32 @p0 s8, s7  }
0xac: {  	[sflag:s7] =	ssyncadd.remote.s32 @p0 $0x1;
	_ =	sdelay $0x1  }
0xad: {  	s7 =	simm.s32 @p0 $0x1B8D  }
0xae: {  	_ =	swait.eq @p0 [sflag:s7], $0x1  }
0xaf: {  	[sflag:s7] =	ssyncadd.s32 @p0 $0xFFFFFFFF  }
0xb0: {  	s8 =	sshll.u32 @!p0 s1, $0xE  }
0xb1: {  	s8 =	sor.u32 @!p0 $0x4000, s8;
	s7 =	simm.s32 @!p0 $0x1B8D  }
0xb2: {  	s6 =	sshll.u32 @!p0 s6, $0x11;
	s8 =	sadd.s32 @!p0 $0x11B8D, s8;
	_ =	swait.eq @!p0 [sflag:s7], $0x1  }
0xb3: {  	s6 =	sor.u32 @!p0 s6, s8;
	[sflag:s7] =	ssyncadd.s32 @!p0 $0xFFFFFFFF  }
0xb4: {  	s25 =	simm.s32 $0x1B8E;
	s24 =	sld [smem:$0x3FFE];
	[sflag:s6] =	ssyncadd.remote.s32 @!p0 $0x1  }
0xb5: {  	s26 =	simm.s32 $execute0_lowered;
	[smem:$0x3FD2] =	sst s25  }
0xb6: {  	s7 =	sshll.u32 s26, $0x1;
	_ =	strace $0x80000049;
	[dreg:$0x1] =	wrdreg $0xFFFFFFFF  }
0xb7: {  	s28 =	simm.s32 $_size_execute0_lowered;
	s5 =	sadd.s32 s5, s7;
	[dreg:$0x0] =	wrdreg $0x0  }
0xb8: {  	s7 =	sshll.u32 s28, $0x1;
	[dreg:$0x2] =	wrdreg s5  }
0xb9: {  	[dreg:$0x3] =	wrdreg s7  }
0xba: {  	[dreg:$0x4] =	wrdreg $0xC0  }
0xbb: {  	_ =	task [dreg:s22], $0x5FFFF  }
0xbc: {  	[dreg:$0x1] =	wrdreg $0xFFFFFFFF  }
0xbd: {  	[dreg:$0x0] =	wrdreg $0x60  }
0xbe: {  	[dreg:$0x2] =	wrdreg s4  }
0xbf: {  	[dreg:$0x3] =	wrdreg s24  }
0xc0: {  	[dreg:$0x4] =	wrdreg s18  }
0xc1: {  	[dreg:$0x5] =	wrdreg $0xA  }
0xc2: {  	_ =	task.clear_ibuf [dreg:s22], $0x6FFFF;
	_ =	strace $0x90000049  }
0xc3: {  	s29 =	simm.s32 $0xA;
	_ =	strace $0x8000004B  }
0xc4: {  	_ =	swait.ge [sflag:s29], $0x1  }
0xc5: {  	[sflag:s29] =	ssyncadd.s32 $0xFFFFFFFF  }
0xc6: {  	_ =	strace $0x9000004B  }
0xc7: {  	_ =	sfence  }
0xc8: {  	s30 =	sld [smem:$0x0];
	_ =	sdelay $0x2  }
0xc9: {  	s31 =	sshll.u32 s1, $0xD;
	s1 =	sshrl.u32 s1, $0x2  }
0xca: {  	s4 =	sand.u32 $0x4000, s31;
	s1 =	sadd.s32 s1, s30  }
0xcb: {  	s0 =	sor.u32 s4, s0;
	s1 =	sshll.u32 s1, $0x11  }
0xcc: {  	s0 =	sor.u32 s1, s0  }
0xcd: {  	s0 =	sadd.s32 $0x8F2B, s0  }
0xce: {  	[sflag:s0] =	ssyncadd.remote.s32 $0x1  }
0xcf: {  	_ =	sfence.sel $0xFFFF  }
0xd0: {  	[dreg:$0x0] =	wrdreg $0xFFFFFFFF;
	(pc) =	sbr.abs _section_cstart, $3  }
0xd1: {  	[dreg:$0x1] =	wrdreg $0xFFFFFFFF  }
0xd2: {  	_ =	task.clear_ibuf [dreg:s22], $0x2FFFF;
	_ =	strace $0x9FFFFFFF  }
0xd3: {  	(tm) =	ssettm $0x7FFFFFFF  }
tec
execute0_lowered:
.L_overlay_start_1:
0x0: {  	(tag) =	ssettag $0x1  }
0x1: {  	s1 =	srdreg.scid;
	s0 =	stileid.u32  }
0x2: {  	s2 =	rddreg [dreg:$0x0];
	s23 =	sand.u32 $0x1, s1;
	s30 =	sshll.u32 s0, $0x1  }
0x3: {  	s4 =	rddreg [dreg:$0x1];
	s11 =	sor.u32 s23, s30  }
0x4: {  	s13 =	rddreg [dreg:$0x2];
	s5 =	smul.u32 $0x64, s11  }
0x5: {  	s3 =	simm.s32 $0x0;
	s1 =	rddreg [dreg:$0x3]  }
0x6: {  	[smem:$0x7FF] =	sst s3;
	s4 =	sadd.s32 s5, s4  }
0x7: {  	_ =	strace $0x8000004A;
	s5 =	sadd.s32 $0x66000, s4;
	s4 =	simm.s32 $0x3  }
0x8: {  	[tilespmem:s3], [sflag:$0x3] =	stream.linear.gather [hbm4b:s5+s3], $0x320, $0x38;
	[tilespmem:$0x8380] =	vst v63  }
0x9: {  	_ =	swait.ge [sflag:s4], $0x320  }
0xa: {  	[sflag:s4] =	ssyncset.done $0x0  }
0xb: {  	s6 =	simm.s32 $0x80;
	s7 =	simm.s32 $0x380;
	[sflag:s4] =	ssyncadd.s32 $0xFFFFFCE0  }
0xc: {  	[tilespmem:s7], [sflag:$0x1] =	stream.indirect.gather [hbm4b:s2+s6], $0x80, s3, s6, $0xb8;
	[tilespmem:$0x8380] =	vst v63  }
0xd: {  	s8 =	simm.s32 $0x4380;
	s9 =	simm.s32 $0x1  }
0xe: {  	[tilespmem:s8], [sflag:$0x2] =	stream.indirect.gather [hbm4b:s2+s6], $0x80, s6, s6, $0xb8;
	[tilespmem:$0x8380] =	vst v63  }
0xf: {  	s10 =	smul.u32 $0x3200, s11;
	_ =	swait.ge [sflag:s9], $0x4000  }
0x10: {  	[sflag:s9] =	ssyncset.done $0x0  }
0x11: {  	s10 =	sadd.s32 s13, s10;
	[sflag:s9] =	ssyncadd.s32 $0xFFFFC000  }
0x12: {  	[hbm4b:s10+s3] =	stream.linear.scatter [tilespmem:s7], [sflag:$0x3], $0x4000, $0x38;
	[tilespmem:$0x8380] =	vst v63  }
0x13: {  	_ =	swait.ge [sflag:s4], $0x4000  }
0x14: {  	s12 =	simm.s32 $0x2;
	[sflag:s4] =	ssyncset.done $0x0  }
0x15: {  	s14 =	smul.u32 $0x19000, s11;
	s11 =	simm.s32 $0x100;
	[sflag:s4] =	ssyncadd.s32 $0xFFFFC000  }
0x16: {  	[tilespmem:s7], [sflag:$0x1] =	stream.indirect.gather [hbm4b:s2+s6], $0x80, s11, s6, $0xb8;
	[tilespmem:$0x8380] =	vst v63  }
0x17: {  	s14 =	sshrl.u32 s14, $0x3;
	_ =	swait.ge [sflag:s12], $0x4000  }
0x18: {  	s24 =	sadd.s32 s13, s14;
	[sflag:s12] =	ssyncset.done $0x0  }
0x19: {  	s13 =	sadd.s32 $0x800, s24;
	[sflag:s12] =	ssyncadd.s32 $0xFFFFC000  }
0x1a: {  	[hbm4b:s13+s3] =	stream.linear.scatter [tilespmem:s8], [sflag:$0x3], $0x4000, $0x38;
	[tilespmem:$0x8380] =	vst v63  }
0x1b: {  	_ =	swait.ge [sflag:s4], $0x4000  }
0x1c: {  	[sflag:s4] =	ssyncset.done $0x0  }
0x1d: {  	s14 =	simm.s32 $0x180;
	[sflag:s4] =	ssyncadd.s32 $0xFFFFC000  }
0x1e: {  	[tilespmem:s8], [sflag:$0x2] =	stream.indirect.gather [hbm4b:s2+s6], $0x80, s14, s6, $0xb8;
	[tilespmem:$0x8380] =	vst v63  }
0x1f: {  	_ =	swait.ge [sflag:s9], $0x4000  }
0x20: {  	[sflag:s9] =	ssyncset.done $0x0  }
0x21: {  	s15 =	sadd.s32 $0x1000, s24;
	[sflag:s9] =	ssyncadd.s32 $0xFFFFC000  }
0x22: {  	[hbm4b:s15+s3] =	stream.linear.scatter [tilespmem:s7], [sflag:$0x3], $0x4000, $0x38;
	[tilespmem:$0x8380] =	vst v63  }
0x23: {  	_ =	swait.ge [sflag:s4], $0x4000  }
0x24: {  	[sflag:s4] =	ssyncset.done $0x0  }
0x25: {  	s16 =	simm.s32 $0x200;
	[sflag:s4] =	ssyncadd.s32 $0xFFFFC000  }
0x26: {  	[tilespmem:s7], [sflag:$0x1] =	stream.indirect.gather [hbm4b:s2+s6], $0x80, s16, s6, $0xb8;
	[tilespmem:$0x8380] =	vst v63  }
0x27: {  	_ =	swait.ge [sflag:s12], $0x4000  }
0x28: {  	[sflag:s12] =	ssyncset.done $0x0  }
0x29: {  	s17 =	sadd.s32 $0x1800, s24;
	[sflag:s12] =	ssyncadd.s32 $0xFFFFC000  }
0x2a: {  	[hbm4b:s17+s3] =	stream.linear.scatter [tilespmem:s8], [sflag:$0x3], $0x4000, $0x38;
	[tilespmem:$0x8380] =	vst v63  }
0x2b: {  	_ =	swait.ge [sflag:s4], $0x4000  }
0x2c: {  	[sflag:s4] =	ssyncset.done $0x0  }
0x2d: {  	s18 =	simm.s32 $0x280;
	[sflag:s4] =	ssyncadd.s32 $0xFFFFC000  }
0x2e: {  	[tilespmem:s8], [sflag:$0x2] =	stream.indirect.gather [hbm4b:s2+s6], $0x80, s18, s6, $0xb8;
	[tilespmem:$0x8380] =	vst v63  }
0x2f: {  	_ =	swait.ge [sflag:s9], $0x4000  }
0x30: {  	[sflag:s9] =	ssyncset.done $0x0  }
0x31: {  	s19 =	sadd.s32 $0x2000, s24;
	[sflag:s9] =	ssyncadd.s32 $0xFFFFC000  }
0x32: {  	[hbm4b:s19+s3] =	stream.linear.scatter [tilespmem:s7], [sflag:$0x3], $0x4000, $0x38;
	[tilespmem:$0x8380] =	vst v63  }
0x33: {  	_ =	swait.ge [sflag:s4], $0x4000  }
0x34: {  	[sflag:s4] =	ssyncset.done $0x0  }
0x35: {  	s20 =	simm.s32 $0x20;
	s21 =	simm.s32 $0x300;
	[sflag:s4] =	ssyncadd.s32 $0xFFFFC000  }
0x36: {  	[tilespmem:s7], [sflag:$0x1] =	stream.indirect.gather [hbm4b:s2+s20], $0x80, s21, s20, $0xb8;
	[tilespmem:$0x8380] =	vst v63  }
0x37: {  	_ =	swait.ge [sflag:s12], $0x4000  }
0x38: {  	[sflag:s12] =	ssyncset.done $0x0  }
0x39: {  	s23 =	ssub.s32 $0x2, s23;
	s22 =	sadd.s32 $0x2800, s24;
	[sflag:s12] =	ssyncadd.s32 $0xFFFFC000  }
0x3a: {  	[hbm4b:s22+s3] =	stream.linear.scatter [tilespmem:s8], [sflag:$0x3], $0x4000, $0x38;
	[tilespmem:$0x8380] =	vst v63  }
0x3b: {  	s25 =	sshrl.u32 s23, $0x1;
	_ =	swait.ge [sflag:s4], $0x4000  }
0x3c: {  	s25 =	ssub.s32 s23, s25;
	[sflag:s4] =	ssyncset.done $0x0  }
0x3d: {  	s31 =	smax.u32 s25, $0x1;
	[sflag:s4] =	ssyncadd.s32 $0xFFFFC000  }
0x3e: {  	p0 =	sne.s32 s31, $0x1;
	_ =	swait.ge [sflag:s9], $0x1000  }
.Ltmp0:
0x3f: {  	[sflag:s9] =	ssyncset.done $0x0;
	(pc) =	sbr.rel @!p0 .LBB2_2-.Ltmp0, $4  }
0x40: {  	s23 =	sadd.s32 $0x3000, s24;
	[sflag:s9] =	ssyncadd.s32 $0xFFFFF000  }
0x41: {  	[hbm4b:s23+s3] =	stream.linear.scatter [tilespmem:s7], [sflag:$0x3], $0x1000, $0x38;
	[tilespmem:$0x8380] =	vst v63  }
0x42: {  	_ =	swait.ge [sflag:s4], $0x1000  }
0x43: {  	s24 =	sadd.s32 $0xFFFFFFFF, s31;
	[sflag:s4] =	ssyncset.done $0x0  }
.LBB2_1:
0x44: {  	p0 =	sne.s32 s24, $0x1;
	s24 =	sadd.s32 $0xFFFFFFFF, s24;
	[sflag:s4] =	ssyncadd.s32 $0xFFFFF000  }
0x45: {  	[tilespmem:s3], [sflag:$0x3] =	stream.linear.gather [hbm4b:s5+s3], $0x320, $0x38;
	[tilespmem:$0x8380] =	vst v63  }
0x46: {  	_ =	swait.ge [sflag:s4], $0x320  }
0x47: {  	[sflag:s4] =	ssyncset.done $0x0  }
0x48: {  	[sflag:s4] =	ssyncadd.s32 $0xFFFFFCE0  }
0x49: {  	[tilespmem:s7], [sflag:$0x1] =	stream.indirect.gather [hbm4b:s2+s6], $0x80, s3, s6, $0xb8;
	[tilespmem:$0x8380] =	vst v63  }
0x4a: {  	_ = 	snop  }
0x4b: {  	[tilespmem:s8], [sflag:$0x2] =	stream.indirect.gather [hbm4b:s2+s6], $0x80, s6, s6, $0xb8;
	[tilespmem:$0x8380] =	vst v63  }
0x4c: {  	_ =	swait.ge [sflag:s9], $0x4000  }
0x4d: {  	[sflag:s9] =	ssyncset.done $0x0  }
0x4e: {  	[sflag:s9] =	ssyncadd.s32 $0xFFFFC000  }
0x4f: {  	[hbm4b:s10+s3] =	stream.linear.scatter [tilespmem:s7], [sflag:$0x3], $0x4000, $0x38;
	[tilespmem:$0x8380] =	vst v63  }
0x50: {  	_ =	swait.ge [sflag:s4], $0x4000  }
0x51: {  	[sflag:s4] =	ssyncset.done $0x0  }
0x52: {  	[sflag:s4] =	ssyncadd.s32 $0xFFFFC000  }
0x53: {  	[tilespmem:s7], [sflag:$0x1] =	stream.indirect.gather [hbm4b:s2+s6], $0x80, s11, s6, $0xb8;
	[tilespmem:$0x8380] =	vst v63  }
0x54: {  	_ =	swait.ge [sflag:s12], $0x4000  }
0x55: {  	[sflag:s12] =	ssyncset.done $0x0  }
0x56: {  	[sflag:s12] =	ssyncadd.s32 $0xFFFFC000  }
0x57: {  	[hbm4b:s13+s3] =	stream.linear.scatter [tilespmem:s8], [sflag:$0x3], $0x4000, $0x38;
	[tilespmem:$0x8380] =	vst v63  }
0x58: {  	_ =	swait.ge [sflag:s4], $0x4000  }
0x59: {  	[sflag:s4] =	ssyncset.done $0x0  }
0x5a: {  	[sflag:s4] =	ssyncadd.s32 $0xFFFFC000  }
0x5b: {  	[tilespmem:s8], [sflag:$0x2] =	stream.indirect.gather [hbm4b:s2+s6], $0x80, s14, s6, $0xb8;
	[tilespmem:$0x8380] =	vst v63  }
0x5c: {  	_ =	swait.ge [sflag:s9], $0x4000  }
0x5d: {  	[sflag:s9] =	ssyncset.done $0x0  }
0x5e: {  	[sflag:s9] =	ssyncadd.s32 $0xFFFFC000  }
0x5f: {  	[hbm4b:s15+s3] =	stream.linear.scatter [tilespmem:s7], [sflag:$0x3], $0x4000, $0x38;
	[tilespmem:$0x8380] =	vst v63  }
0x60: {  	_ =	swait.ge [sflag:s4], $0x4000  }
0x61: {  	[sflag:s4] =	ssyncset.done $0x0  }
0x62: {  	[sflag:s4] =	ssyncadd.s32 $0xFFFFC000  }
0x63: {  	[tilespmem:s7], [sflag:$0x1] =	stream.indirect.gather [hbm4b:s2+s6], $0x80, s16, s6, $0xb8;
	[tilespmem:$0x8380] =	vst v63  }
0x64: {  	_ =	swait.ge [sflag:s12], $0x4000  }
0x65: {  	[sflag:s12] =	ssyncset.done $0x0  }
0x66: {  	[sflag:s12] =	ssyncadd.s32 $0xFFFFC000  }
0x67: {  	[hbm4b:s17+s3] =	stream.linear.scatter [tilespmem:s8], [sflag:$0x3], $0x4000, $0x38;
	[tilespmem:$0x8380] =	vst v63  }
0x68: {  	_ =	swait.ge [sflag:s4], $0x4000  }
0x69: {  	[sflag:s4] =	ssyncset.done $0x0  }
0x6a: {  	[sflag:s4] =	ssyncadd.s32 $0xFFFFC000  }
0x6b: {  	[tilespmem:s8], [sflag:$0x2] =	stream.indirect.gather [hbm4b:s2+s6], $0x80, s18, s6, $0xb8;
	[tilespmem:$0x8380] =	vst v63  }
0x6c: {  	_ =	swait.ge [sflag:s9], $0x4000  }
0x6d: {  	[sflag:s9] =	ssyncset.done $0x0  }
0x6e: {  	[sflag:s9] =	ssyncadd.s32 $0xFFFFC000  }
0x6f: {  	[hbm4b:s19+s3] =	stream.linear.scatter [tilespmem:s7], [sflag:$0x3], $0x4000, $0x38;
	[tilespmem:$0x8380] =	vst v63  }
0x70: {  	_ =	swait.ge [sflag:s4], $0x4000  }
0x71: {  	[sflag:s4] =	ssyncset.done $0x0  }
0x72: {  	[sflag:s4] =	ssyncadd.s32 $0xFFFFC000  }
0x73: {  	[tilespmem:s7], [sflag:$0x1] =	stream.indirect.gather [hbm4b:s2+s20], $0x80, s21, s20, $0xb8;
	[tilespmem:$0x8380] =	vst v63  }
0x74: {  	_ =	swait.ge [sflag:s12], $0x4000  }
0x75: {  	[sflag:s12] =	ssyncset.done $0x0  }
0x76: {  	[sflag:s12] =	ssyncadd.s32 $0xFFFFC000  }
0x77: {  	[hbm4b:s22+s3] =	stream.linear.scatter [tilespmem:s8], [sflag:$0x3], $0x4000, $0x38;
	[tilespmem:$0x8380] =	vst v63  }
0x78: {  	_ =	swait.ge [sflag:s4], $0x4000  }
0x79: {  	[sflag:s4] =	ssyncset.done $0x0  }
0x7a: {  	[sflag:s4] =	ssyncadd.s32 $0xFFFFC000  }
0x7b: {  	_ =	swait.ge [sflag:s9], $0x1000  }
.Ltmp1:
0x7c: {  	[sflag:s9] =	ssyncset.done $0x0;
	(pc) =	sbr.rel @p0 .LBB2_1-.Ltmp1, $4  }
0x7d: {  	[sflag:s9] =	ssyncadd.s32 $0xFFFFF000  }
0x7e: {  	[hbm4b:s23+s3] =	stream.linear.scatter [tilespmem:s7], [sflag:$0x3], $0x1000, $0x38;
	[tilespmem:$0x8380] =	vst v63  }
0x7f: {  	_ =	swait.ge [sflag:s4], $0x1000  }
0x80: {  	[sflag:s4] =	ssyncset.done $0x0  }
.LBB2_2:
0x81: {  	[sflag:s4] =	ssyncadd.s32 $0xFFFFF000  }
0x82: {  	_ =	sfence.sel $0x180000  }
0x83: {  	[bflag:$0x0] =	sbarrier.arrive $0xFFFF  }
0x84: {  	p0 =	sne.s32 s0, $0x0;
	_ =	strace $0x9000004A  }
0x85: {  	s0 =	sadd.s32 @!p0 $0x100000, s1;
	[bflag:$0x2] =	sbarrier.arrive $0xFFFF  }
0x86: {  	[sflag:s0] =	ssyncadd.tile.s32 @!p0 $0x1;
	_ =	shalt  }
.Lfunc_end2:
_tile_overlayer_lowered:
.L_overlay_start_2:
0x87: {  	(tag) =	ssettag $0x2  }
0x88: {  	s0 =	rddreg [dreg:$0x0];
	s2 =	stileid.u32  }
0x89: {  	s1 =	rddreg [dreg:$0x1];
	p0 =	sne.s32 s2, $0x0  }
0x8a: {  	s3 =	rddreg [dreg:$0x2];
	[bflag:$0x3] =	sbarrier.arrive $0xFFFF;
	s2 =	simm.s32 @!p0 $0x1C03  }
0x8b: {  	[timem:s3], [sflag:s2] =	dma.local @!p0 [hbm:s0], s1  }
0x8c: {  	s0 =	simm.s32 @!p0 $0x3  }
0x8d: {  	_ =	swait.ge @!p0 [sflag:s0], s1  }
0x8e: {  	s1 =	ssub.s32 @!p0 $0x0, s1;
	[sflag:s0] =	ssyncset.done @!p0 $0x0  }
0x8f: {  	[sflag:s0] =	ssyncadd.s32 @!p0 s1  }
0x90: {  	[bflag:$0x3] =	sbarrier.arrive $0xFFFF  }
0x91: {  	_ =	shalt  }

</sc_bundles>
